<compile_context>
chip_gen: v7x
topology: tpu7x:2x2x1
jax: 0.10.2.dev20260603
libtpu: 0.0.44.dev20260713+nightly
codegen_flags: <defaults>
</compile_context>

<pallas_src>
import functools

import numpy as np
import jax
import jax.numpy as jnp
from jax import lax
from jax.experimental import pallas as pl
from jax.experimental.pallas import tpu as pltpu
from jax.experimental.pallas import tpu_sc as plsc

RADIAL_FEATURES = 32
CHANNELS = 128
CUTOFF = 5.0
N_NODES = 10000
N_EDGES = 160000
MAX_Z = 119

_NC, _NS, _L = 2, 16, 16
_NW = _NC * _NS
_E_PER = 5008
_E_PAD = _E_PER * _NW



def _sc_gather(src_hbm, dst_hbm, rflat_hbm, z_hbm, out_hbm,
               src_v, dst_v, r_v, z_v, out_v):
    wid = lax.axis_index("s") * _NC + lax.axis_index("c")
    base = wid * _E_PER
    pltpu.sync_copy(src_hbm.at[pl.ds(base, _E_PER)], src_v)
    pltpu.sync_copy(dst_hbm.at[pl.ds(base, _E_PER)], dst_v)
    pltpu.sync_copy(rflat_hbm, r_v)
    pltpu.sync_copy(z_hbm, z_v)

    lane = lax.iota(jnp.int32, _L)

    def body(i, carry):
        off = i * _L
        s = src_v[pl.ds(off, _L)]
        d = dst_v[pl.ds(off, _L)]
        s3 = s * 3
        d3 = d * 3
        xs = plsc.load_gather(r_v, [s3])
        ys = plsc.load_gather(r_v, [s3 + 1])
        zs = plsc.load_gather(r_v, [s3 + 2])
        xd = plsc.load_gather(r_v, [d3])
        yd = plsc.load_gather(r_v, [d3 + 1])
        zd = plsc.load_gather(r_v, [d3 + 2])
        zn_s = plsc.load_gather(z_v, [s]).astype(jnp.float32)
        zn_d = plsc.load_gather(z_v, [d]).astype(jnp.float32)
        o = (off + lane) * 8
        plsc.store_scatter(out_v, [o], xd - xs)
        plsc.store_scatter(out_v, [o + 1], yd - ys)
        plsc.store_scatter(out_v, [o + 2], zd - zs)
        plsc.store_scatter(out_v, [o + 4], zn_s)
        plsc.store_scatter(out_v, [o + 5], zn_d)
        return carry

    lax.fori_loop(0, _E_PER // _L, body, 0)
    pltpu.sync_copy(out_v, out_hbm.at[pl.ds(base * 8, _E_PER * 8)])


def _sc_gather_call(src, dst, rflat, z32):
    wrapped = functools.partial(
        pl.kernel,
        mesh=plsc.VectorSubcoreMesh(core_axis_name="c", subcore_axis_name="s"),
        out_type=jax.ShapeDtypeStruct((_E_PAD * 8,), jnp.float32),
        scratch_types=[
            pltpu.VMEM((_E_PER,), jnp.int32),
            pltpu.VMEM((_E_PER,), jnp.int32),
            pltpu.VMEM((N_NODES * 3,), jnp.float32),
            pltpu.VMEM((N_NODES,), jnp.int32),
            pltpu.VMEM((_E_PER * 8,), jnp.float32),
        ],
        compiler_params=pltpu.CompilerParams(needs_layout_passes=False),
    )(_sc_gather)
    return wrapped(src, dst, rflat, z32)



_BETA = float(((2.0 / RADIAL_FEATURES) * (1.0 - np.exp(-CUTOFF))) ** -2)

_MU = np.linspace(np.exp(-CUTOFF), 1.0, RADIAL_FEATURES).astype(np.float32)

_ENV_C = (1.0, -0.24999994, 0.020833245, -0.00069439015,
          1.2384941e-05, -1.3539515e-07, 8.622546e-10)

_B = 1600



def _tc_body(rv_ref, zemb_ref, wz_ref, wr_ref, br_ref, mu_ref,
             oi_ref, oa_ref, os_ref):
    rv = rv_ref[...]
    dx = rv[:, 0:1]
    dy = rv[:, 1:2]
    dz = rv[:, 2:3]
    r2 = dx * dx + dy * dy + dz * dz
    r = jnp.sqrt(r2)
    inv = lax.rsqrt(r2)
    x = dx * inv
    y = dy * inv
    z = dz * inv

    er = jnp.exp(-r)
    diff = er - mu_ref[...]
    feats = jnp.exp(-_BETA * diff * diff)
    hr = jnp.dot(feats, wr_ref[...], preferred_element_type=jnp.float32)
    hr = hr + br_ref[...]
    v = r2 * jnp.float32((np.pi / CUTOFF) ** 2)
    p = jnp.float32(_ENV_C[-1])
    for _c in _ENV_C[-2::-1]:
        p = p * v + jnp.float32(_c)
    env = jnp.where(r2 < CUTOFF * CUTOFF, p, 0.0)

    zs = rv[:, 4:5].astype(jnp.int32)
    zd = rv[:, 5:6].astype(jnp.int32)
    ii = lax.broadcasted_iota(jnp.int32, (_B, CHANNELS), 1)
    oh_s = (zs == ii).astype(jnp.float32)
    oh_d = (zd == ii).astype(jnp.float32)
    zemb = zemb_ref[...]
    e_s = jnp.dot(oh_s, zemb, preferred_element_type=jnp.float32)
    e_d = jnp.dot(oh_d, zemb, preferred_element_type=jnp.float32)
    wz = wz_ref[...]
    hz = (jnp.dot(e_s, wz[0:CHANNELS, :], preferred_element_type=jnp.float32)
          + jnp.dot(e_d, wz[CHANNELS:, :], preferred_element_type=jnp.float32))

    shape = (_B, CHANNELS)
    envb = jnp.broadcast_to(env, shape)
    xb = jnp.broadcast_to(x, shape)
    yb = jnp.broadcast_to(y, shape)
    zb = jnp.broadcast_to(z, shape)
    t3 = (x * x + y * y + z * z) / 3.0
    t3b = jnp.broadcast_to(t3, shape)

    ehz = envb * hz
    c_i = hr[:, 0:CHANNELS] * ehz
    c_a = hr[:, CHANNELS:2 * CHANNELS] * ehz
    c_s = hr[:, 2 * CHANNELS:] * ehz

    zero = jnp.zeros(shape, jnp.float32)

    oi_ref[0] = c_i
    oi_ref[1] = zero
    oi_ref[2] = zero
    oi_ref[3] = zero
    oi_ref[4] = c_i
    oi_ref[5] = zero
    oi_ref[6] = zero
    oi_ref[7] = zero
    oi_ref[8] = c_i

    pax = xb * c_a
    pay = yb * c_a
    paz = zb * c_a
    oa_ref[0] = zero
    oa_ref[1] = -paz
    oa_ref[2] = pay
    oa_ref[3] = paz
    oa_ref[4] = zero
    oa_ref[5] = -pax
    oa_ref[6] = -pay
    oa_ref[7] = pax
    oa_ref[8] = zero

    tx = xb * c_s
    ty = yb * c_s
    tz = zb * c_s
    t3s = t3b * c_s
    pxy = xb * ty
    pxz = xb * tz
    pyz = yb * tz
    os_ref[0] = xb * tx - t3s
    os_ref[1] = pxy
    os_ref[2] = pxz
    os_ref[3] = pxy
    os_ref[4] = yb * ty - t3s
    os_ref[5] = pyz
    os_ref[6] = pxz
    os_ref[7] = pyz
    os_ref[8] = zb * tz - t3s


def _tc_call(rv8, zemb, wz, wr, br, mu):
    n_blocks = N_EDGES // _B
    full = lambda i: (0, 0)
    out_shape = jax.ShapeDtypeStruct((9, N_EDGES, CHANNELS), jnp.float32)
    oplane = pl.BlockSpec((9, _B, CHANNELS), lambda i: (0, i, 0))
    return pl.pallas_call(
        _tc_body,
        grid=(n_blocks,),
        in_specs=[
            pl.BlockSpec((_B, 8), lambda i: (i, 0)),
            pl.BlockSpec((CHANNELS, CHANNELS), full),
            pl.BlockSpec((2 * CHANNELS, CHANNELS), full),
            pl.BlockSpec((RADIAL_FEATURES, 3 * CHANNELS), full),
            pl.BlockSpec((1, 3 * CHANNELS), full),
            pl.BlockSpec((1, RADIAL_FEATURES), full),
        ],
        out_specs=[oplane, oplane, oplane],
        out_shape=[out_shape, out_shape, out_shape],
        compiler_params=pltpu.CompilerParams(
            dimension_semantics=("arbitrary",),
            vmem_limit_bytes=100 * 1024 * 1024),
    )(rv8, zemb, wz, wr, br, mu)


def _planes_to_out(p, E):
    return jnp.transpose(p.reshape(3, 3, E, CHANNELS), (2, 3, 0, 1))


def kernel(Z, edge_index, R, z_embed, W_z, W_r, b_r):
    E = edge_index.shape[1]
    pad = _E_PAD - E
    src = jnp.concatenate([edge_index[0].astype(jnp.int32),
                           jnp.zeros((pad,), jnp.int32)])
    dst = jnp.concatenate([edge_index[1].astype(jnp.int32),
                           jnp.zeros((pad,), jnp.int32)])
    rflat = R.astype(jnp.float32).reshape(-1)
    z32 = Z.astype(jnp.int32)

    rv8 = _sc_gather_call(src, dst, rflat, z32).reshape(_E_PAD, 8)

    zemb = jnp.zeros((CHANNELS, CHANNELS), jnp.float32).at[:MAX_Z, :].set(z_embed)
    br2 = b_r.reshape(1, 3 * CHANNELS)
    mu2 = jnp.asarray(_MU).reshape(1, RADIAL_FEATURES)
    oi, oa, os_ = _tc_call(rv8, zemb, W_z, W_r, br2, mu2)
    return (_planes_to_out(oi, E), _planes_to_out(oa, E),
            _planes_to_out(os_, E))

# --- scband reference (transcript-rebuilt; emitter-appended) ---
"""Pipeline reference for scband-edge-embedding-40570261078234 (READ-ONLY COPY).

The authoritative reference and input builder live on the scoring server;
editing this copy changes nothing except your own understanding.
"""

import jax, jax.numpy as jnp
import numpy as np

RADIAL_FEATURES = 32
CHANNELS = 128
CUTOFF = 5.0
N_NODES = 10000
N_EDGES = 160000
MAX_Z = 119


def exponential_expansion(r):
    # h_{R,n}(r) = exp(-beta_n * (exp(-r) - mu_n)^2)
    mu = jnp.linspace(jnp.exp(-CUTOFF), 1.0, RADIAL_FEATURES).astype(r.dtype)
    beta = ((2.0 / RADIAL_FEATURES) * (1.0 - np.exp(-CUTOFF))) ** -2
    return jnp.exp(-beta * (jnp.exp(-r)[:, None] - mu[None, :]) ** 2)


def cosine_envelope(r):
    return jnp.where(r < CUTOFF, 0.5 * (jnp.cos(jnp.pi * r / CUTOFF) + 1.0), 0.0)


def vector_to_skew_symmetric_matrix(v):
    x, y, z = v[:, 0], v[:, 1], v[:, 2]
    zero = jnp.zeros_like(x)
    t = jnp.stack((zero, -z, y, z, zero, -x, -y, x, zero), axis=1)
    return t.reshape(t.shape[0], 3, 3)


def vector_to_symmetric_traceless_matrix(v):
    v_vT = v[..., :, None] * v[..., None, :]
    one_third_tr = jnp.einsum('...ii->...', v_vT) / 3.0
    Id = jnp.eye(3, dtype=v.dtype)
    I = one_third_tr[..., None, None] * Id
    return 0.5 * (v_vT + jnp.swapaxes(v_vT, -2, -1)) - I


def setup_inputs(seed: int = 0) -> dict:
    key = jax.random.key(seed)
    ks = jax.random.split(key, 7)
    Z = jax.random.randint(ks[0], (N_NODES,), 0, 100)
    edge_index = jax.random.randint(ks[1], (2, N_EDGES), 0, N_NODES)
    R = jax.random.normal(ks[2], (N_NODES, 3), dtype=jnp.float32)
    z_embed = jax.random.normal(ks[3], (MAX_Z, CHANNELS), dtype=jnp.float32)
    W_z = jax.random.normal(ks[4], (2 * CHANNELS, CHANNELS), dtype=jnp.float32) / np.sqrt(2 * CHANNELS)
    W_r = jax.random.normal(ks[5], (RADIAL_FEATURES, 3 * CHANNELS), dtype=jnp.float32) / np.sqrt(RADIAL_FEATURES)
    b_r = jax.random.normal(ks[6], (3 * CHANNELS,), dtype=jnp.float32) * 0.01
    return {"Z": Z, "edge_index": edge_index, "R": R, "z_embed": z_embed, "W_z": W_z, "W_r": W_r, "b_r": b_r}


def reference(Z, edge_index, R, z_embed, W_z, W_r, b_r):
    E = edge_index.shape[1]
    C = z_embed.shape[1]
    # neighbour vectors / distances
    r_vec = R[edge_index[1]] - R[edge_index[0]]
    r = jnp.linalg.norm(r_vec, axis=-1)
    r_hat = r_vec / r[..., None]
    # initial edge embedding components
    eye = jnp.eye(3, dtype=R.dtype)
    I_0 = jnp.broadcast_to(eye[None, ...], (E, 3, 3)).reshape(E, 1, 3, 3)
    A_0 = vector_to_skew_symmetric_matrix(r_hat).reshape(E, 1, 3, 3)
    S_0 = vector_to_symmetric_traceless_matrix(r_hat).reshape(E, 1, 3, 3)
    # species embedding (gather) -> edge gather -> linear
    h_z_atom = jnp.take(z_embed, Z, axis=0)
    h_z_edge = jnp.take(h_z_atom, edge_index, axis=0)  # (2, E, C)
    h_z_edge = jnp.transpose(h_z_edge, (1, 0, 2)).reshape(E, 2 * C)
    h_z_edge = h_z_edge @ W_z  # (E, C)
    # radial embedding with cosine envelope (HaddamardProduct, left_aligned)
    h_r = cosine_envelope(r)[:, None] * (exponential_expansion(r) @ W_r + b_r)  # (E, 3C)
    c = (h_r * jnp.tile(h_z_edge, (1, 3)))[..., None, None]  # (E, 3C, 1, 1)
    c_I, c_A, c_S = jnp.split(c, 3, axis=1)
    return (c_I * I_0, c_A * A_0, c_S * S_0)

if __name__ == "__main__":
    import jax
    _d = setup_inputs()
    print(jax.jit(kernel)(*tuple(_d.values())))

</pallas_src>

<mosaic_0001>
#map = affine_map<(d0, d1) -> (0)>
module attributes {stable_mosaic.version = 14 : i64} {
  func.func @_sc_gather(%arg0: i32, %arg1: i32, %arg2: memref<160256xi32, #tpu.memory_space<hbm>>, %arg3: memref<160256xi32, #tpu.memory_space<hbm>>, %arg4: memref<30000xf32, #tpu.memory_space<hbm>>, %arg5: memref<10000xi32, #tpu.memory_space<hbm>>, %arg6: memref<1282048xf32, #tpu.memory_space<hbm>>, %arg7: memref<5008xi32, #tpu.memory_space<vmem>>, %arg8: memref<5008xi32, #tpu.memory_space<vmem>>, %arg9: memref<30000xf32, #tpu.memory_space<vmem>>, %arg10: memref<10000xi32, #tpu.memory_space<vmem>>, %arg11: memref<40064xf32, #tpu.memory_space<vmem>>) attributes {dimension_semantics = [#tpu.dimension_semantics<core_parallel>, #tpu.dimension_semantics<subcore_parallel>], iteration_bounds = array<i64: 2, 16>, scalar_prefetch = 0 : i64, scratch_operands = 5 : i64, tpu.core_type = #tpu.core_type<sc_vector_subcore>, window_params = [{transform_indices = #map}, {transform_indices = #map}, {transform_indices = #map}, {transform_indices = #map}, {transform_indices = #map}]} {
    %mul3A = arith.constant 2 : i32
    %mul3A_0 = arith.muli %arg1, %mul3A : i32
    %add3A = arith.addi %mul3A_0, %arg0 : i32
    %mul3A_1 = arith.constant 5008 : i32
    %mul3A_2 = arith.muli %add3A, %mul3A_1 : i32
    "tpu.region"() ({
      %run_scoped3A = tpu.sem_alloc : memref<!tpu.dma_semaphore, #tpu.memory_space<semaphore_mem>>
      %dma_start3A = tpu.memref_slice %arg2[%mul3A_2] : memref<160256xi32, #tpu.memory_space<hbm>> -> memref<5008xi32, #tpu.memory_space<hbm>>
      %dma_start3A_10 = tpu.memref_slice %arg2[%mul3A_2] : memref<160256xi32, #tpu.memory_space<hbm>> -> memref<5008xi32, #tpu.memory_space<hbm>>
      tpu.enqueue_dma source(%dma_start3A_10 : memref<5008xi32, #tpu.memory_space<hbm>>) target(%arg7 : memref<5008xi32, #tpu.memory_space<vmem>>) target_semaphore(%run_scoped3A : memref<!tpu.dma_semaphore, #tpu.memory_space<semaphore_mem>>)
      %dma_wait3A = tpu.memref_slice %arg2[%mul3A_2] : memref<160256xi32, #tpu.memory_space<hbm>> -> memref<5008xi32, #tpu.memory_space<hbm>>
      %dma_wait3A_11 = tpu.memref_slice %arg2[%mul3A_2] : memref<160256xi32, #tpu.memory_space<hbm>> -> memref<5008xi32, #tpu.memory_space<hbm>>
      tpu.wait_dma2 semaphore(%run_scoped3A : memref<!tpu.dma_semaphore, #tpu.memory_space<semaphore_mem>>) src(%dma_wait3A_11 : memref<5008xi32, #tpu.memory_space<hbm>>) dst(%arg7 : memref<5008xi32, #tpu.memory_space<vmem>>)
      tpu.yield
    }) : () -> ()
    "tpu.region"() ({
      %run_scoped3A = tpu.sem_alloc : memref<!tpu.dma_semaphore, #tpu.memory_space<semaphore_mem>>
      %dma_start3A = tpu.memref_slice %arg3[%mul3A_2] : memref<160256xi32, #tpu.memory_space<hbm>> -> memref<5008xi32, #tpu.memory_space<hbm>>
      %dma_start3A_10 = tpu.memref_slice %arg3[%mul3A_2] : memref<160256xi32, #tpu.memory_space<hbm>> -> memref<5008xi32, #tpu.memory_space<hbm>>
      tpu.enqueue_dma source(%dma_start3A_10 : memref<5008xi32, #tpu.memory_space<hbm>>) target(%arg8 : memref<5008xi32, #tpu.memory_space<vmem>>) target_semaphore(%run_scoped3A : memref<!tpu.dma_semaphore, #tpu.memory_space<semaphore_mem>>)
      %dma_wait3A = tpu.memref_slice %arg3[%mul3A_2] : memref<160256xi32, #tpu.memory_space<hbm>> -> memref<5008xi32, #tpu.memory_space<hbm>>
      %dma_wait3A_11 = tpu.memref_slice %arg3[%mul3A_2] : memref<160256xi32, #tpu.memory_space<hbm>> -> memref<5008xi32, #tpu.memory_space<hbm>>
      tpu.wait_dma2 semaphore(%run_scoped3A : memref<!tpu.dma_semaphore, #tpu.memory_space<semaphore_mem>>) src(%dma_wait3A_11 : memref<5008xi32, #tpu.memory_space<hbm>>) dst(%arg8 : memref<5008xi32, #tpu.memory_space<vmem>>)
      tpu.yield
    }) : () -> ()
    "tpu.region"() ({
      %run_scoped3A = tpu.sem_alloc : memref<!tpu.dma_semaphore, #tpu.memory_space<semaphore_mem>>
      tpu.enqueue_dma source(%arg4 : memref<30000xf32, #tpu.memory_space<hbm>>) target(%arg9 : memref<30000xf32, #tpu.memory_space<vmem>>) target_semaphore(%run_scoped3A : memref<!tpu.dma_semaphore, #tpu.memory_space<semaphore_mem>>)
      tpu.wait_dma2 semaphore(%run_scoped3A : memref<!tpu.dma_semaphore, #tpu.memory_space<semaphore_mem>>) src(%arg4 : memref<30000xf32, #tpu.memory_space<hbm>>) dst(%arg9 : memref<30000xf32, #tpu.memory_space<vmem>>)
      tpu.yield
    }) : () -> ()
    "tpu.region"() ({
      %run_scoped3A = tpu.sem_alloc : memref<!tpu.dma_semaphore, #tpu.memory_space<semaphore_mem>>
      tpu.enqueue_dma source(%arg5 : memref<10000xi32, #tpu.memory_space<hbm>>) target(%arg10 : memref<10000xi32, #tpu.memory_space<vmem>>) target_semaphore(%run_scoped3A : memref<!tpu.dma_semaphore, #tpu.memory_space<semaphore_mem>>)
      tpu.wait_dma2 semaphore(%run_scoped3A : memref<!tpu.dma_semaphore, #tpu.memory_space<semaphore_mem>>) src(%arg5 : memref<10000xi32, #tpu.memory_space<hbm>>) dst(%arg10 : memref<10000xi32, #tpu.memory_space<vmem>>)
      tpu.yield
    }) : () -> ()
    %iota3A = tpu.iota {dimensions = array<i32: 0>} : vector<16xi32>
    %scan3A = arith.constant 0 : i32
    %scan3A_3 = arith.constant 0 : i32
    %scan3A_4 = arith.constant 313 : i32
    %scan3A_5 = arith.addi %scan3A_3, %scan3A_4 : i32
    %scan3A_6 = arith.constant 1 : i32
    scf.for %scan3A_10 = %scan3A_3 to %scan3A_5 step %scan3A_6  : i32 {
      %mul3A_11 = arith.constant 16 : i32
      %mul3A_12 = arith.muli %scan3A_10, %mul3A_11 : i32
      %get3A = arith.index_cast %mul3A_12 : i32 to index
      %get3A_13 = tpu.vector_load %arg7[%get3A] {strides = array<i32>} : memref<5008xi32, #tpu.memory_space<vmem>>, vector<16xi32>,
      %get3A_14 = arith.index_cast %mul3A_12 : i32 to index
      %get3A_15 = tpu.vector_load %arg8[%get3A_14] {strides = array<i32>} : memref<5008xi32, #tpu.memory_space<vmem>>, vector<16xi32>,
      %mul3A_16 = arith.constant 3 : i32
      %mul3A_17 = vector.broadcast %mul3A_16 : i32 to vector<16xi32>
      %mul3A_18 = arith.muli %get3A_13, %mul3A_17 : vector<16xi32>
      %mul3A_19 = arith.constant 3 : i32
      %mul3A_20 = vector.broadcast %mul3A_19 : i32 to vector<16xi32>
      %mul3A_21 = arith.muli %get3A_15, %mul3A_20 : vector<16xi32>
      %gather3A = tpu.vector_load_idx %arg9[%mul3A_18] : memref<30000xf32, #tpu.memory_space<vmem>>[vector<16xi32>], vector<16xf32>,
      %add3A_22 = arith.constant 1 : i32
      %add3A_23 = vector.broadcast %add3A_22 : i32 to vector<16xi32>
      %add3A_24 = arith.addi %mul3A_18, %add3A_23 : vector<16xi32>
      %gather3A_25 = tpu.vector_load_idx %arg9[%add3A_24] : memref<30000xf32, #tpu.memory_space<vmem>>[vector<16xi32>], vector<16xf32>,
      %add3A_26 = arith.constant 2 : i32
      %add3A_27 = vector.broadcast %add3A_26 : i32 to vector<16xi32>
      %add3A_28 = arith.addi %mul3A_18, %add3A_27 : vector<16xi32>
      %gather3A_29 = tpu.vector_load_idx %arg9[%add3A_28] : memref<30000xf32, #tpu.memory_space<vmem>>[vector<16xi32>], vector<16xf32>,
      %gather3A_30 = tpu.vector_load_idx %arg9[%mul3A_21] : memref<30000xf32, #tpu.memory_space<vmem>>[vector<16xi32>], vector<16xf32>,
      %add3A_31 = arith.constant 1 : i32
      %add3A_32 = vector.broadcast %add3A_31 : i32 to vector<16xi32>
      %add3A_33 = arith.addi %mul3A_21, %add3A_32 : vector<16xi32>
      %gather3A_34 = tpu.vector_load_idx %arg9[%add3A_33] : memref<30000xf32, #tpu.memory_space<vmem>>[vector<16xi32>], vector<16xf32>,
      %add3A_35 = arith.constant 2 : i32
      %add3A_36 = vector.broadcast %add3A_35 : i32 to vector<16xi32>
      %add3A_37 = arith.addi %mul3A_21, %add3A_36 : vector<16xi32>
      %gather3A_38 = tpu.vector_load_idx %arg9[%add3A_37] : memref<30000xf32, #tpu.memory_space<vmem>>[vector<16xi32>], vector<16xf32>,
      %gather3A_39 = tpu.vector_load_idx %arg10[%get3A_13] : memref<10000xi32, #tpu.memory_space<vmem>>[vector<16xi32>], vector<16xi32>,
      %convert_element_type3A = arith.sitofp %gather3A_39 : vector<16xi32> to vector<16xf32>
      %gather3A_40 = tpu.vector_load_idx %arg10[%get3A_15] : memref<10000xi32, #tpu.memory_space<vmem>>[vector<16xi32>], vector<16xi32>,
      %convert_element_type3A_41 = arith.sitofp %gather3A_40 : vector<16xi32> to vector<16xf32>
      %add3A_42 = vector.broadcast %mul3A_12 : i32 to vector<16xi32>
      %add3A_43 = arith.addi %add3A_42, %iota3A : vector<16xi32>
      %mul3A_44 = arith.constant 8 : i32
      %mul3A_45 = vector.broadcast %mul3A_44 : i32 to vector<16xi32>
      %mul3A_46 = arith.muli %add3A_43, %mul3A_45 : vector<16xi32>
      %sub3A = arith.subf %gather3A_30, %gather3A : vector<16xf32>
      tpu.vector_store_idx %arg11[%mul3A_46], %sub3A : memref<40064xf32, #tpu.memory_space<vmem>>[vector<16xi32>], vector<16xf32>,
      %add3A_47 = arith.constant 1 : i32
      %add3A_48 = vector.broadcast %add3A_47 : i32 to vector<16xi32>
      %add3A_49 = arith.addi %mul3A_46, %add3A_48 : vector<16xi32>
      %sub3A_50 = arith.subf %gather3A_34, %gather3A_25 : vector<16xf32>
      tpu.vector_store_idx %arg11[%add3A_49], %sub3A_50 : memref<40064xf32, #tpu.memory_space<vmem>>[vector<16xi32>], vector<16xf32>,
      %add3A_51 = arith.constant 2 : i32
      %add3A_52 = vector.broadcast %add3A_51 : i32 to vector<16xi32>
      %add3A_53 = arith.addi %mul3A_46, %add3A_52 : vector<16xi32>
      %sub3A_54 = arith.subf %gather3A_38, %gather3A_29 : vector<16xf32>
      tpu.vector_store_idx %arg11[%add3A_53], %sub3A_54 : memref<40064xf32, #tpu.memory_space<vmem>>[vector<16xi32>], vector<16xf32>,
      %add3A_55 = arith.constant 4 : i32
      %add3A_56 = vector.broadcast %add3A_55 : i32 to vector<16xi32>
      %add3A_57 = arith.addi %mul3A_46, %add3A_56 : vector<16xi32>
      tpu.vector_store_idx %arg11[%add3A_57], %convert_element_type3A : memref<40064xf32, #tpu.memory_space<vmem>>[vector<16xi32>], vector<16xf32>,
      %add3A_58 = arith.constant 5 : i32
      %add3A_59 = vector.broadcast %add3A_58 : i32 to vector<16xi32>
      %add3A_60 = arith.addi %mul3A_46, %add3A_59 : vector<16xi32>
      tpu.vector_store_idx %arg11[%add3A_60], %convert_element_type3A_41 : memref<40064xf32, #tpu.memory_space<vmem>>[vector<16xi32>], vector<16xf32>,
    }
    %scan3A_7 = arith.constant 313 : i32
    %mul3A_8 = arith.constant 8 : i32
    %mul3A_9 = arith.muli %mul3A_2, %mul3A_8 : i32
    "tpu.region"() ({
      %run_scoped3A = tpu.sem_alloc : memref<!tpu.dma_semaphore, #tpu.memory_space<semaphore_mem>>
      %dma_start3A = tpu.memref_slice %arg6[%mul3A_9] : memref<1282048xf32, #tpu.memory_space<hbm>> -> memref<40064xf32, #tpu.memory_space<hbm>>
      %dma_start3A_10 = tpu.memref_slice %arg6[%mul3A_9] : memref<1282048xf32, #tpu.memory_space<hbm>> -> memref<40064xf32, #tpu.memory_space<hbm>>
      tpu.enqueue_dma source(%arg11 : memref<40064xf32, #tpu.memory_space<vmem>>) target(%dma_start3A_10 : memref<40064xf32, #tpu.memory_space<hbm>>) target_semaphore(%run_scoped3A : memref<!tpu.dma_semaphore, #tpu.memory_space<semaphore_mem>>)
      %dma_wait3A = tpu.memref_slice %arg6[%mul3A_9] : memref<1282048xf32, #tpu.memory_space<hbm>> -> memref<40064xf32, #tpu.memory_space<hbm>>
      %dma_wait3A_11 = tpu.memref_slice %arg6[%mul3A_9] : memref<1282048xf32, #tpu.memory_space<hbm>> -> memref<40064xf32, #tpu.memory_space<hbm>>
      tpu.wait_dma2 semaphore(%run_scoped3A : memref<!tpu.dma_semaphore, #tpu.memory_space<semaphore_mem>>) src(%arg11 : memref<40064xf32, #tpu.memory_space<vmem>>) dst(%dma_wait3A_11 : memref<40064xf32, #tpu.memory_space<hbm>>)
      tpu.yield
    }) : () -> ()
    return
  }
}

module attributes {stable_mosaic.version = 14 : i64} {
  func.func @_tc_body(%arg0: i32, %arg1: memref<1600x8xf32, #tpu.memory_space<vmem>>, %arg2: memref<128x128xf32, #tpu.memory_space<vmem>>, %arg3: memref<256x128xf32, #tpu.memory_space<vmem>>, %arg4: memref<32x384xf32, #tpu.memory_space<vmem>>, %arg5: memref<1x384xf32, #tpu.memory_space<vmem>>, %arg6: memref<1x32xf32, #tpu.memory_space<vmem>>, %arg7: memref<9x1600x128xf32, #tpu.memory_space<vmem>>, %arg8: memref<9x1600x128xf32, #tpu.memory_space<vmem>>, %arg9: memref<9x1600x128xf32, #tpu.memory_space<vmem>>) attributes {dimension_semantics = [#tpu.dimension_semantics<arbitrary>], iteration_bounds = array<i64: 100>, scalar_prefetch = 0 : i64, scratch_operands = 0 : i64, tpu.core_type = #tpu.core_type<tc>, window_params = [{transform_indices = @transform_0, window_bounds = array<i64: 1600, 8>}, {pipeline_mode = #tpu.pipeline_mode<synchronous>, transform_indices = @transform_1, window_bounds = array<i64: 128, 128>}, {pipeline_mode = #tpu.pipeline_mode<synchronous>, transform_indices = @transform_2, window_bounds = array<i64: 256, 128>}, {pipeline_mode = #tpu.pipeline_mode<synchronous>, transform_indices = @transform_3, window_bounds = array<i64: 32, 384>}, {pipeline_mode = #tpu.pipeline_mode<synchronous>, transform_indices = @transform_4, window_bounds = array<i64: 1, 384>}, {pipeline_mode = #tpu.pipeline_mode<synchronous>, transform_indices = @transform_5, window_bounds = array<i64: 1, 32>}, {transform_indices = @transform_6, window_bounds = array<i64: 9, 1600, 128>}, {transform_indices = @transform_7, window_bounds = array<i64: 9, 1600, 128>}, {transform_indices = @transform_8, window_bounds = array<i64: 9, 1600, 128>}]} {
    %get3A = arith.constant 0 : index
    %get3A_0 = arith.constant 0 : index
    %get3A_1 = vector.load %arg1[%get3A, %get3A_0] : memref<1600x8xf32, #tpu.memory_space<vmem>>, vector<1600x8xf32>
    %slice3A = vector.extract_strided_slice %get3A_1 {offsets = [0, 0], sizes = [1600, 1], strides = [1, 1]} : vector<1600x8xf32> to vector<1600x1xf32>
    %slice3A_2 = vector.extract_strided_slice %get3A_1 {offsets = [0, 1], sizes = [1600, 1], strides = [1, 1]} : vector<1600x8xf32> to vector<1600x1xf32>
    %slice3A_3 = vector.extract_strided_slice %get3A_1 {offsets = [0, 2], sizes = [1600, 1], strides = [1, 1]} : vector<1600x8xf32> to vector<1600x1xf32>
    %mul3A = arith.mulf %slice3A, %slice3A : vector<1600x1xf32>
    %mul3A_4 = arith.mulf %slice3A_2, %slice3A_2 : vector<1600x1xf32>
    %add3A = arith.addf %mul3A, %mul3A_4 : vector<1600x1xf32>
    %mul3A_5 = arith.mulf %slice3A_3, %slice3A_3 : vector<1600x1xf32>
    %add3A_6 = arith.addf %add3A, %mul3A_5 : vector<1600x1xf32>
    %sqrt3A = math.sqrt %add3A_6 : vector<1600x1xf32>
    %rsqrt3A = math.rsqrt %add3A_6 : vector<1600x1xf32>
    %mul3A_7 = arith.mulf %slice3A, %rsqrt3A : vector<1600x1xf32>
    %mul3A_8 = arith.mulf %slice3A_2, %rsqrt3A : vector<1600x1xf32>
    %mul3A_9 = arith.mulf %slice3A_3, %rsqrt3A : vector<1600x1xf32>
    %neg3A = arith.constant 0.000000e+00 : f32
    %neg3A_10 = vector.broadcast %neg3A : f32 to vector<1600x1xf32>
    %neg3A_11 = arith.subf %neg3A_10, %sqrt3A : vector<1600x1xf32>
    %exp3A = math.exp %neg3A_11 : vector<1600x1xf32>
    %get3A_12 = arith.constant 0 : index
    %get3A_13 = arith.constant 0 : index
    %get3A_14 = vector.load %arg6[%get3A_12, %get3A_13] : memref<1x32xf32, #tpu.memory_space<vmem>>, vector<1x32xf32>
    %sub3A = vector.broadcast %exp3A : vector<1600x1xf32> to vector<1600x32xf32>
    %sub3A_15 = vector.broadcast %get3A_14 : vector<1x32xf32> to vector<1600x32xf32>
    %sub3A_16 = arith.subf %sub3A, %sub3A_15 : vector<1600x32xf32>
    %mul3A_17 = arith.constant -259.485016 : f32
    %mul3A_18 = vector.broadcast %mul3A_17 : f32 to vector<1600x32xf32>
    %mul3A_19 = arith.mulf %mul3A_18, %sub3A_16 : vector<1600x32xf32>
    %mul3A_20 = arith.mulf %mul3A_19, %sub3A_16 : vector<1600x32xf32>
    %exp3A_21 = math.exp %mul3A_20 : vector<1600x32xf32>
    %get3A_22 = arith.constant 0 : index
    %get3A_23 = arith.constant 0 : index
    %get3A_24 = vector.load %arg4[%get3A_22, %get3A_23] : memref<32x384xf32, #tpu.memory_space<vmem>>, vector<32x384xf32>
    %dot_general3A = arith.constant dense<0.000000e+00> : vector<1600x384xf32>
    %dot_general3A_25 = tpu.matmul %exp3A_21, %get3A_24, %dot_general3A {dimension_numbers = #tpu.dot_dimension_numbers<[1], [0], [0], [1], [0, 0, 1, 1], [], []>, transpose_lhs_hint = false} : vector<1600x32xf32>, vector<32x384xf32>, vector<1600x384xf32> -> vector<1600x384xf32>
    %get3A_26 = arith.constant 0 : index
    %get3A_27 = arith.constant 0 : index
    %get3A_28 = vector.load %arg5[%get3A_26, %get3A_27] : memref<1x384xf32, #tpu.memory_space<vmem>>, vector<1x384xf32>
    %add3A_29 = vector.broadcast %get3A_28 : vector<1x384xf32> to vector<1600x384xf32>
    %add3A_30 = arith.addf %dot_general3A_25, %add3A_29 : vector<1600x384xf32>
    %mul3A_31 = arith.constant 0.394784182 : f32
    %mul3A_32 = vector.broadcast %mul3A_31 : f32 to vector<1600x1xf32>
    %mul3A_33 = arith.mulf %add3A_6, %mul3A_32 : vector<1600x1xf32>
    %mul3A_34 = arith.constant 8.62254601E-10 : f32
    %mul3A_35 = vector.broadcast %mul3A_34 : f32 to vector<1600x1xf32>
    %mul3A_36 = arith.mulf %mul3A_35, %mul3A_33 : vector<1600x1xf32>
    %add3A_37 = arith.constant -1.35395155E-7 : f32
    %add3A_38 = vector.broadcast %add3A_37 : f32 to vector<1600x1xf32>
    %add3A_39 = arith.addf %mul3A_36, %add3A_38 : vector<1600x1xf32>
    %mul3A_40 = arith.mulf %add3A_39, %mul3A_33 : vector<1600x1xf32>
    %add3A_41 = arith.constant 1.23849413E-5 : f32
    %add3A_42 = vector.broadcast %add3A_41 : f32 to vector<1600x1xf32>
    %add3A_43 = arith.addf %mul3A_40, %add3A_42 : vector<1600x1xf32>
    %mul3A_44 = arith.mulf %add3A_43, %mul3A_33 : vector<1600x1xf32>
    %add3A_45 = arith.constant -6.94390154E-4 : f32
    %add3A_46 = vector.broadcast %add3A_45 : f32 to vector<1600x1xf32>
    %add3A_47 = arith.addf %mul3A_44, %add3A_46 : vector<1600x1xf32>
    %mul3A_48 = arith.mulf %add3A_47, %mul3A_33 : vector<1600x1xf32>
    %add3A_49 = arith.constant 0.0208332445 : f32
    %add3A_50 = vector.broadcast %add3A_49 : f32 to vector<1600x1xf32>
    %add3A_51 = arith.addf %mul3A_48, %add3A_50 : vector<1600x1xf32>
    %mul3A_52 = arith.mulf %add3A_51, %mul3A_33 : vector<1600x1xf32>
    %add3A_53 = arith.constant -0.24999994 : f32
    %add3A_54 = vector.broadcast %add3A_53 : f32 to vector<1600x1xf32>
    %add3A_55 = arith.addf %mul3A_52, %add3A_54 : vector<1600x1xf32>
    %mul3A_56 = arith.mulf %add3A_55, %mul3A_33 : vector<1600x1xf32>
    %add3A_57 = arith.constant 1.000000e+00 : f32
    %add3A_58 = vector.broadcast %add3A_57 : f32 to vector<1600x1xf32>
    %add3A_59 = arith.addf %mul3A_56, %add3A_58 : vector<1600x1xf32>
    %lt3A = arith.constant 2.500000e+01 : f32
    %lt3A_60 = vector.broadcast %lt3A : f32 to vector<1600x1xf32>
    %lt3A_61 = arith.cmpf olt, %add3A_6, %lt3A_60 : vector<1600x1xf32>
    %jit3A = arith.constant 0.000000e+00 : f32
    %broadcast_in_dim3A = vector.broadcast %jit3A : f32 to vector<1600x1xf32>
    %select_n3A = arith.select %lt3A_61, %add3A_59, %broadcast_in_dim3A : vector<1600x1xi1>, vector<1600x1xf32>
    %slice3A_62 = vector.extract_strided_slice %get3A_1 {offsets = [0, 4], sizes = [1600, 1], strides = [1, 1]} : vector<1600x8xf32> to vector<1600x1xf32>
    %convert_element_type3A = arith.fptosi %slice3A_62 : vector<1600x1xf32> to vector<1600x1xi32>
    %slice3A_63 = vector.extract_strided_slice %get3A_1 {offsets = [0, 5], sizes = [1600, 1], strides = [1, 1]} : vector<1600x8xf32> to vector<1600x1xf32>
    %convert_element_type3A_64 = arith.fptosi %slice3A_63 : vector<1600x1xf32> to vector<1600x1xi32>
    %iota3A = tpu.iota {dimensions = array<i32: 1>} : vector<1600x128xi32>
    %eq3A = vector.broadcast %convert_element_type3A : vector<1600x1xi32> to vector<1600x128xi32>
    %eq3A_65 = arith.cmpi eq, %eq3A, %iota3A : vector<1600x128xi32>
    %convert_element_type3A_66 = arith.extui %eq3A_65 : vector<1600x128xi1> to vector<1600x128xi32>
    %convert_element_type3A_67 = arith.sitofp %convert_element_type3A_66 : vector<1600x128xi32> to vector<1600x128xf32>
    %eq3A_68 = vector.broadcast %convert_element_type3A_64 : vector<1600x1xi32> to vector<1600x128xi32>
    %eq3A_69 = arith.cmpi eq, %eq3A_68, %iota3A : vector<1600x128xi32>
    %convert_element_type3A_70 = arith.extui %eq3A_69 : vector<1600x128xi1> to vector<1600x128xi32>
    %convert_element_type3A_71 = arith.sitofp %convert_element_type3A_70 : vector<1600x128xi32> to vector<1600x128xf32>
    %get3A_72 = arith.constant 0 : index
    %get3A_73 = arith.constant 0 : index
    %get3A_74 = vector.load %arg2[%get3A_72, %get3A_73] : memref<128x128xf32, #tpu.memory_space<vmem>>, vector<128x128xf32>
    %dot_general3A_75 = arith.constant dense<0.000000e+00> : vector<1600x128xf32>
    %dot_general3A_76 = tpu.matmul %convert_element_type3A_67, %get3A_74, %dot_general3A_75 {dimension_numbers = #tpu.dot_dimension_numbers<[1], [0], [0], [1], [0, 0, 1, 1], [], []>, transpose_lhs_hint = false} : vector<1600x128xf32>, vector<128x128xf32>, vector<1600x128xf32> -> vector<1600x128xf32>
    %dot_general3A_77 = arith.constant dense<0.000000e+00> : vector<1600x128xf32>
    %dot_general3A_78 = tpu.matmul %convert_element_type3A_71, %get3A_74, %dot_general3A_77 {dimension_numbers = #tpu.dot_dimension_numbers<[1], [0], [0], [1], [0, 0, 1, 1], [], []>, transpose_lhs_hint = false} : vector<1600x128xf32>, vector<128x128xf32>, vector<1600x128xf32> -> vector<1600x128xf32>
    %get3A_79 = arith.constant 0 : index
    %get3A_80 = arith.constant 0 : index
    %get3A_81 = vector.load %arg3[%get3A_79, %get3A_80] : memref<256x128xf32, #tpu.memory_space<vmem>>, vector<256x128xf32>
    %slice3A_82 = vector.extract_strided_slice %get3A_81 {offsets = [0, 0], sizes = [128, 128], strides = [1, 1]} : vector<256x128xf32> to vector<128x128xf32>
    %dot_general3A_83 = arith.constant dense<0.000000e+00> : vector<1600x128xf32>
    %dot_general3A_84 = tpu.matmul %dot_general3A_76, %slice3A_82, %dot_general3A_83 {dimension_numbers = #tpu.dot_dimension_numbers<[1], [0], [0], [1], [0, 0, 1, 1], [], []>, transpose_lhs_hint = false} : vector<1600x128xf32>, vector<128x128xf32>, vector<1600x128xf32> -> vector<1600x128xf32>
    %slice3A_85 = vector.extract_strided_slice %get3A_81 {offsets = [128, 0], sizes = [128, 128], strides = [1, 1]} : vector<256x128xf32> to vector<128x128xf32>
    %dot_general3A_86 = arith.constant dense<0.000000e+00> : vector<1600x128xf32>
    %dot_general3A_87 = tpu.matmul %dot_general3A_78, %slice3A_85, %dot_general3A_86 {dimension_numbers = #tpu.dot_dimension_numbers<[1], [0], [0], [1], [0, 0, 1, 1], [], []>, transpose_lhs_hint = false} : vector<1600x128xf32>, vector<128x128xf32>, vector<1600x128xf32> -> vector<1600x128xf32>
    %add3A_88 = arith.addf %dot_general3A_84, %dot_general3A_87 : vector<1600x128xf32>
    %broadcast_in_dim3A_89 = vector.shape_cast %select_n3A : vector<1600x1xf32> to vector<1600x1xf32>
    %broadcast_in_dim3A_90 = vector.broadcast %broadcast_in_dim3A_89 : vector<1600x1xf32> to vector<1600x128xf32>
    %broadcast_in_dim3A_91 = vector.shape_cast %mul3A_7 : vector<1600x1xf32> to vector<1600x1xf32>
    %broadcast_in_dim3A_92 = vector.broadcast %broadcast_in_dim3A_91 : vector<1600x1xf32> to vector<1600x128xf32>
    %broadcast_in_dim3A_93 = vector.shape_cast %mul3A_8 : vector<1600x1xf32> to vector<1600x1xf32>
    %broadcast_in_dim3A_94 = vector.broadcast %broadcast_in_dim3A_93 : vector<1600x1xf32> to vector<1600x128xf32>
    %broadcast_in_dim3A_95 = vector.shape_cast %mul3A_9 : vector<1600x1xf32> to vector<1600x1xf32>
    %broadcast_in_dim3A_96 = vector.broadcast %broadcast_in_dim3A_95 : vector<1600x1xf32> to vector<1600x128xf32>
    %mul3A_97 = arith.mulf %mul3A_7, %mul3A_7 : vector<1600x1xf32>
    %mul3A_98 = arith.mulf %mul3A_8, %mul3A_8 : vector<1600x1xf32>
    %add3A_99 = arith.addf %mul3A_97, %mul3A_98 : vector<1600x1xf32>
    %mul3A_100 = arith.mulf %mul3A_9, %mul3A_9 : vector<1600x1xf32>
    %add3A_101 = arith.addf %add3A_99, %mul3A_100 : vector<1600x1xf32>
    %div3A = arith.constant 3.000000e+00 : f32
    %div3A_102 = vector.broadcast %div3A : f32 to vector<1600x1xf32>
    %div3A_103 = arith.divf %add3A_101, %div3A_102 : vector<1600x1xf32>
    %broadcast_in_dim3A_104 = vector.shape_cast %div3A_103 : vector<1600x1xf32> to vector<1600x1xf32>
    %broadcast_in_dim3A_105 = vector.broadcast %broadcast_in_dim3A_104 : vector<1600x1xf32> to vector<1600x128xf32>
    %mul3A_106 = arith.mulf %broadcast_in_dim3A_90, %add3A_88 : vector<1600x128xf32>
    %slice3A_107 = vector.extract_strided_slice %add3A_30 {offsets = [0, 0], sizes = [1600, 128], strides = [1, 1]} : vector<1600x384xf32> to vector<1600x128xf32>
    %mul3A_108 = arith.mulf %slice3A_107, %mul3A_106 : vector<1600x128xf32>
    %slice3A_109 = vector.extract_strided_slice %add3A_30 {offsets = [0, 128], sizes = [1600, 128], strides = [1, 1]} : vector<1600x384xf32> to vector<1600x128xf32>
    %mul3A_110 = arith.mulf %slice3A_109, %mul3A_106 : vector<1600x128xf32>
    %slice3A_111 = vector.extract_strided_slice %add3A_30 {offsets = [0, 256], sizes = [1600, 128], strides = [1, 1]} : vector<1600x384xf32> to vector<1600x128xf32>
    %mul3A_112 = arith.mulf %slice3A_111, %mul3A_106 : vector<1600x128xf32>
    %broadcast_in_dim3A_113 = arith.constant 0.000000e+00 : f32
    %broadcast_in_dim3A_114 = vector.broadcast %broadcast_in_dim3A_113 : f32 to vector<1600x128xf32>
    %swap3A = arith.constant 0 : index
    %swap3A_115 = arith.constant 0 : index
    %swap3A_116 = arith.constant 0 : index
    %swap3A_117 = vector.load %arg7[%swap3A, %swap3A_115, %swap3A_116] : memref<9x1600x128xf32, #tpu.memory_space<vmem>>, vector<1x1600x128xf32>
    %swap3A_118 = vector.shape_cast %swap3A_117 : vector<1x1600x128xf32> to vector<1600x128xf32>
    %swap3A_119 = vector.shape_cast %mul3A_108 : vector<1600x128xf32> to vector<1x1600x128xf32>
    tpu.vector_store %arg7[%swap3A, %swap3A_115, %swap3A_116], %swap3A_119 {strides = array<i32>} : memref<9x1600x128xf32, #tpu.memory_space<vmem>>, vector<1x1600x128xf32>,
    %swap3A_120 = arith.constant 1 : index
    %swap3A_121 = arith.constant 0 : index
    %swap3A_122 = arith.constant 0 : index
    %swap3A_123 = vector.load %arg7[%swap3A_120, %swap3A_121, %swap3A_122] : memref<9x1600x128xf32, #tpu.memory_space<vmem>>, vector<1x1600x128xf32>
    %swap3A_124 = vector.shape_cast %swap3A_123 : vector<1x1600x128xf32> to vector<1600x128xf32>
    %swap3A_125 = vector.shape_cast %broadcast_in_dim3A_114 : vector<1600x128xf32> to vector<1x1600x128xf32>
    tpu.vector_store %arg7[%swap3A_120, %swap3A_121, %swap3A_122], %swap3A_125 {strides = array<i32>} : memref<9x1600x128xf32, #tpu.memory_space<vmem>>, vector<1x1600x128xf32>,
    %swap3A_126 = arith.constant 2 : index
    %swap3A_127 = arith.constant 0 : index
    %swap3A_128 = arith.constant 0 : index
    %swap3A_129 = vector.load %arg7[%swap3A_126, %swap3A_127, %swap3A_128] : memref<9x1600x128xf32, #tpu.memory_space<vmem>>, vector<1x1600x128xf32>
    %swap3A_130 = vector.shape_cast %swap3A_129 : vector<1x1600x128xf32> to vector<1600x128xf32>
    %swap3A_131 = vector.shape_cast %broadcast_in_dim3A_114 : vector<1600x128xf32> to vector<1x1600x128xf32>
    tpu.vector_store %arg7[%swap3A_126, %swap3A_127, %swap3A_128], %swap3A_131 {strides = array<i32>} : memref<9x1600x128xf32, #tpu.memory_space<vmem>>, vector<1x1600x128xf32>,
    %swap3A_132 = arith.constant 3 : index
    %swap3A_133 = arith.constant 0 : index
    %swap3A_134 = arith.constant 0 : index
    %swap3A_135 = vector.load %arg7[%swap3A_132, %swap3A_133, %swap3A_134] : memref<9x1600x128xf32, #tpu.memory_space<vmem>>, vector<1x1600x128xf32>
    %swap3A_136 = vector.shape_cast %swap3A_135 : vector<1x1600x128xf32> to vector<1600x128xf32>
    %swap3A_137 = vector.shape_cast %broadcast_in_dim3A_114 : vector<1600x128xf32> to vector<1x1600x128xf32>
    tpu.vector_store %arg7[%swap3A_132, %swap3A_133, %swap3A_134], %swap3A_137 {strides = array<i32>} : memref<9x1600x128xf32, #tpu.memory_space<vmem>>, vector<1x1600x128xf32>,
    %swap3A_138 = arith.constant 4 : index
    %swap3A_139 = arith.constant 0 : index
    %swap3A_140 = arith.constant 0 : index
    %swap3A_141 = vector.load %arg7[%swap3A_138, %swap3A_139, %swap3A_140] : memref<9x1600x128xf32, #tpu.memory_space<vmem>>, vector<1x1600x128xf32>
    %swap3A_142 = vector.shape_cast %swap3A_141 : vector<1x1600x128xf32> to vector<1600x128xf32>
    %swap3A_143 = vector.shape_cast %mul3A_108 : vector<1600x128xf32> to vector<1x1600x128xf32>
    tpu.vector_store %arg7[%swap3A_138, %swap3A_139, %swap3A_140], %swap3A_143 {strides = array<i32>} : memref<9x1600x128xf32, #tpu.memory_space<vmem>>, vector<1x1600x128xf32>,
    %swap3A_144 = arith.constant 5 : index
    %swap3A_145 = arith.constant 0 : index
    %swap3A_146 = arith.constant 0 : index
    %swap3A_147 = vector.load %arg7[%swap3A_144, %swap3A_145, %swap3A_146] : memref<9x1600x128xf32, #tpu.memory_space<vmem>>, vector<1x1600x128xf32>
    %swap3A_148 = vector.shape_cast %swap3A_147 : vector<1x1600x128xf32> to vector<1600x128xf32>
    %swap3A_149 = vector.shape_cast %broadcast_in_dim3A_114 : vector<1600x128xf32> to vector<1x1600x128xf32>
    tpu.vector_store %arg7[%swap3A_144, %swap3A_145, %swap3A_146], %swap3A_149 {strides = array<i32>} : memref<9x1600x128xf32, #tpu.memory_space<vmem>>, vector<1x1600x128xf32>,
    %swap3A_150 = arith.constant 6 : index
    %swap3A_151 = arith.constant 0 : index
    %swap3A_152 = arith.constant 0 : index
    %swap3A_153 = vector.load %arg7[%swap3A_150, %swap3A_151, %swap3A_152] : memref<9x1600x128xf32, #tpu.memory_space<vmem>>, vector<1x1600x128xf32>
    %swap3A_154 = vector.shape_cast %swap3A_153 : vector<1x1600x128xf32> to vector<1600x128xf32>
    %swap3A_155 = vector.shape_cast %broadcast_in_dim3A_114 : vector<1600x128xf32> to vector<1x1600x128xf32>
    tpu.vector_store %arg7[%swap3A_150, %swap3A_151, %swap3A_152], %swap3A_155 {strides = array<i32>} : memref<9x1600x128xf32, #tpu.memory_space<vmem>>, vector<1x1600x128xf32>,
    %swap3A_156 = arith.constant 7 : index
    %swap3A_157 = arith.constant 0 : index
    %swap3A_158 = arith.constant 0 : index
    %swap3A_159 = vector.load %arg7[%swap3A_156, %swap3A_157, %swap3A_158] : memref<9x1600x128xf32, #tpu.memory_space<vmem>>, vector<1x1600x128xf32>
    %swap3A_160 = vector.shape_cast %swap3A_159 : vector<1x1600x128xf32> to vector<1600x128xf32>
    %swap3A_161 = vector.shape_cast %broadcast_in_dim3A_114 : vector<1600x128xf32> to vector<1x1600x128xf32>
    tpu.vector_store %arg7[%swap3A_156, %swap3A_157, %swap3A_158], %swap3A_161 {strides = array<i32>} : memref<9x1600x128xf32, #tpu.memory_space<vmem>>, vector<1x1600x128xf32>,
    %swap3A_162 = arith.constant 8 : index
    %swap3A_163 = arith.constant 0 : index
    %swap3A_164 = arith.constant 0 : index
    %swap3A_165 = vector.load %arg7[%swap3A_162, %swap3A_163, %swap3A_164] : memref<9x1600x128xf32, #tpu.memory_space<vmem>>, vector<1x1600x128xf32>
    %swap3A_166 = vector.shape_cast %swap3A_165 : vector<1x1600x128xf32> to vector<1600x128xf32>
    %swap3A_167 = vector.shape_cast %mul3A_108 : vector<1600x128xf32> to vector<1x1600x128xf32>
    tpu.vector_store %arg7[%swap3A_162, %swap3A_163, %swap3A_164], %swap3A_167 {strides = array<i32>} : memref<9x1600x128xf32, #tpu.memory_space<vmem>>, vector<1x1600x128xf32>,
    %mul3A_168 = arith.mulf %broadcast_in_dim3A_92, %mul3A_110 : vector<1600x128xf32>
    %mul3A_169 = arith.mulf %broadcast_in_dim3A_94, %mul3A_110 : vector<1600x128xf32>
    %mul3A_170 = arith.mulf %broadcast_in_dim3A_96, %mul3A_110 : vector<1600x128xf32>
    %swap3A_171 = arith.constant 0 : index
    %swap3A_172 = arith.constant 0 : index
    %swap3A_173 = arith.constant 0 : index
    %swap3A_174 = vector.load %arg8[%swap3A_171, %swap3A_172, %swap3A_173] : memref<9x1600x128xf32, #tpu.memory_space<vmem>>, vector<1x1600x128xf32>
    %swap3A_175 = vector.shape_cast %swap3A_174 : vector<1x1600x128xf32> to vector<1600x128xf32>
    %swap3A_176 = vector.shape_cast %broadcast_in_dim3A_114 : vector<1600x128xf32> to vector<1x1600x128xf32>
    tpu.vector_store %arg8[%swap3A_171, %swap3A_172, %swap3A_173], %swap3A_176 {strides = array<i32>} : memref<9x1600x128xf32, #tpu.memory_space<vmem>>, vector<1x1600x128xf32>,
    %neg3A_177 = arith.constant 0.000000e+00 : f32
    %neg3A_178 = vector.broadcast %neg3A_177 : f32 to vector<1600x128xf32>
    %neg3A_179 = arith.subf %neg3A_178, %mul3A_170 : vector<1600x128xf32>
    %swap3A_180 = arith.constant 1 : index
    %swap3A_181 = arith.constant 0 : index
    %swap3A_182 = arith.constant 0 : index
    %swap3A_183 = vector.load %arg8[%swap3A_180, %swap3A_181, %swap3A_182] : memref<9x1600x128xf32, #tpu.memory_space<vmem>>, vector<1x1600x128xf32>
    %swap3A_184 = vector.shape_cast %swap3A_183 : vector<1x1600x128xf32> to vector<1600x128xf32>
    %swap3A_185 = vector.shape_cast %neg3A_179 : vector<1600x128xf32> to vector<1x1600x128xf32>
    tpu.vector_store %arg8[%swap3A_180, %swap3A_181, %swap3A_182], %swap3A_185 {strides = array<i32>} : memref<9x1600x128xf32, #tpu.memory_space<vmem>>, vector<1x1600x128xf32>,
    %swap3A_186 = arith.constant 2 : index
    %swap3A_187 = arith.constant 0 : index
    %swap3A_188 = arith.constant 0 : index
    %swap3A_189 = vector.load %arg8[%swap3A_186, %swap3A_187, %swap3A_188] : memref<9x1600x128xf32, #tpu.memory_space<vmem>>, vector<1x1600x128xf32>
    %swap3A_190 = vector.shape_cast %swap3A_189 : vector<1x1600x128xf32> to vector<1600x128xf32>
    %swap3A_191 = vector.shape_cast %mul3A_169 : vector<1600x128xf32> to vector<1x1600x128xf32>
    tpu.vector_store %arg8[%swap3A_186, %swap3A_187, %swap3A_188], %swap3A_191 {strides = array<i32>} : memref<9x1600x128xf32, #tpu.memory_space<vmem>>, vector<1x1600x128xf32>,
    %swap3A_192 = arith.constant 3 : index
    %swap3A_193 = arith.constant 0 : index
    %swap3A_194 = arith.constant 0 : index
    %swap3A_195 = vector.load %arg8[%swap3A_192, %swap3A_193, %swap3A_194] : memref<9x1600x128xf32, #tpu.memory_space<vmem>>, vector<1x1600x128xf32>
    %swap3A_196 = vector.shape_cast %swap3A_195 : vector<1x1600x128xf32> to vector<1600x128xf32>
    %swap3A_197 = vector.shape_cast %mul3A_170 : vector<1600x128xf32> to vector<1x1600x128xf32>
    tpu.vector_store %arg8[%swap3A_192, %swap3A_193, %swap3A_194], %swap3A_197 {strides = array<i32>} : memref<9x1600x128xf32, #tpu.memory_space<vmem>>, vector<1x1600x128xf32>,
    %swap3A_198 = arith.constant 4 : index
    %swap3A_199 = arith.constant 0 : index
    %swap3A_200 = arith.constant 0 : index
    %swap3A_201 = vector.load %arg8[%swap3A_198, %swap3A_199, %swap3A_200] : memref<9x1600x128xf32, #tpu.memory_space<vmem>>, vector<1x1600x128xf32>
    %swap3A_202 = vector.shape_cast %swap3A_201 : vector<1x1600x128xf32> to vector<1600x128xf32>
    %swap3A_203 = vector.shape_cast %broadcast_in_dim3A_114 : vector<1600x128xf32> to vector<1x1600x128xf32>
    tpu.vector_store %arg8[%swap3A_198, %swap3A_199, %swap3A_200], %swap3A_203 {strides = array<i32>} : memref<9x1600x128xf32, #tpu.memory_space<vmem>>, vector<1x1600x128xf32>,
    %neg3A_204 = arith.constant 0.000000e+00 : f32
    %neg3A_205 = vector.broadcast %neg3A_204 : f32 to vector<1600x128xf32>
    %neg3A_206 = arith.subf %neg3A_205, %mul3A_168 : vector<1600x128xf32>
    %swap3A_207 = arith.constant 5 : index
    %swap3A_208 = arith.constant 0 : index
    %swap3A_209 = arith.constant 0 : index
    %swap3A_210 = vector.load %arg8[%swap3A_207, %swap3A_208, %swap3A_209] : memref<9x1600x128xf32, #tpu.memory_space<vmem>>, vector<1x1600x128xf32>
    %swap3A_211 = vector.shape_cast %swap3A_210 : vector<1x1600x128xf32> to vector<1600x128xf32>
    %swap3A_212 = vector.shape_cast %neg3A_206 : vector<1600x128xf32> to vector<1x1600x128xf32>
    tpu.vector_store %arg8[%swap3A_207, %swap3A_208, %swap3A_209], %swap3A_212 {strides = array<i32>} : memref<9x1600x128xf32, #tpu.memory_space<vmem>>, vector<1x1600x128xf32>,
    %neg3A_213 = arith.constant 0.000000e+00 : f32
    %neg3A_214 = vector.broadcast %neg3A_213 : f32 to vector<1600x128xf32>
    %neg3A_215 = arith.subf %neg3A_214, %mul3A_169 : vector<1600x128xf32>
    %swap3A_216 = arith.constant 6 : index
    %swap3A_217 = arith.constant 0 : index
    %swap3A_218 = arith.constant 0 : index
    %swap3A_219 = vector.load %arg8[%swap3A_216, %swap3A_217, %swap3A_218] : memref<9x1600x128xf32, #tpu.memory_space<vmem>>, vector<1x1600x128xf32>
    %swap3A_220 = vector.shape_cast %swap3A_219 : vector<1x1600x128xf32> to vector<1600x128xf32>
    %swap3A_221 = vector.shape_cast %neg3A_215 : vector<1600x128xf32> to vector<1x1600x128xf32>
    tpu.vector_store %arg8[%swap3A_216, %swap3A_217, %swap3A_218], %swap3A_221 {strides = array<i32>} : memref<9x1600x128xf32, #tpu.memory_space<vmem>>, vector<1x1600x128xf32>,
    %swap3A_222 = arith.constant 7 : index
    %swap3A_223 = arith.constant 0 : index
    %swap3A_224 = arith.constant 0 : index
    %swap3A_225 = vector.load %arg8[%swap3A_222, %swap3A_223, %swap3A_224] : memref<9x1600x128xf32, #tpu.memory_space<vmem>>, vector<1x1600x128xf32>
    %swap3A_226 = vector.shape_cast %swap3A_225 : vector<1x1600x128xf32> to vector<1600x128xf32>
    %swap3A_227 = vector.shape_cast %mul3A_168 : vector<1600x128xf32> to vector<1x1600x128xf32>
    tpu.vector_store %arg8[%swap3A_222, %swap3A_223, %swap3A_224], %swap3A_227 {strides = array<i32>} : memref<9x1600x128xf32, #tpu.memory_space<vmem>>, vector<1x1600x128xf32>,
    %swap3A_228 = arith.constant 8 : index
    %swap3A_229 = arith.constant 0 : index
    %swap3A_230 = arith.constant 0 : index
    %swap3A_231 = vector.load %arg8[%swap3A_228, %swap3A_229, %swap3A_230] : memref<9x1600x128xf32, #tpu.memory_space<vmem>>, vector<1x1600x128xf32>
    %swap3A_232 = vector.shape_cast %swap3A_231 : vector<1x1600x128xf32> to vector<1600x128xf32>
    %swap3A_233 = vector.shape_cast %broadcast_in_dim3A_114 : vector<1600x128xf32> to vector<1x1600x128xf32>
    tpu.vector_store %arg8[%swap3A_228, %swap3A_229, %swap3A_230], %swap3A_233 {strides = array<i32>} : memref<9x1600x128xf32, #tpu.memory_space<vmem>>, vector<1x1600x128xf32>,
    %mul3A_234 = arith.mulf %broadcast_in_dim3A_92, %mul3A_112 : vector<1600x128xf32>
    %mul3A_235 = arith.mulf %broadcast_in_dim3A_94, %mul3A_112 : vector<1600x128xf32>
    %mul3A_236 = arith.mulf %broadcast_in_dim3A_96, %mul3A_112 : vector<1600x128xf32>
    %mul3A_237 = arith.mulf %broadcast_in_dim3A_105, %mul3A_112 : vector<1600x128xf32>
    %mul3A_238 = arith.mulf %broadcast_in_dim3A_92, %mul3A_235 : vector<1600x128xf32>
    %mul3A_239 = arith.mulf %broadcast_in_dim3A_92, %mul3A_236 : vector<1600x128xf32>
    %mul3A_240 = arith.mulf %broadcast_in_dim3A_94, %mul3A_236 : vector<1600x128xf32>
    %mul3A_241 = arith.mulf %broadcast_in_dim3A_92, %mul3A_234 : vector<1600x128xf32>
    %sub3A_242 = arith.subf %mul3A_241, %mul3A_237 : vector<1600x128xf32>
    %swap3A_243 = arith.constant 0 : index
    %swap3A_244 = arith.constant 0 : index
    %swap3A_245 = arith.constant 0 : index
    %swap3A_246 = vector.load %arg9[%swap3A_243, %swap3A_244, %swap3A_245] : memref<9x1600x128xf32, #tpu.memory_space<vmem>>, vector<1x1600x128xf32>
    %swap3A_247 = vector.shape_cast %swap3A_246 : vector<1x1600x128xf32> to vector<1600x128xf32>
    %swap3A_248 = vector.shape_cast %sub3A_242 : vector<1600x128xf32> to vector<1x1600x128xf32>
    tpu.vector_store %arg9[%swap3A_243, %swap3A_244, %swap3A_245], %swap3A_248 {strides = array<i32>} : memref<9x1600x128xf32, #tpu.memory_space<vmem>>, vector<1x1600x128xf32>,
    %swap3A_249 = arith.constant 1 : index
    %swap3A_250 = arith.constant 0 : index
    %swap3A_251 = arith.constant 0 : index
    %swap3A_252 = vector.load %arg9[%swap3A_249, %swap3A_250, %swap3A_251] : memref<9x1600x128xf32, #tpu.memory_space<vmem>>, vector<1x1600x128xf32>
    %swap3A_253 = vector.shape_cast %swap3A_252 : vector<1x1600x128xf32> to vector<1600x128xf32>
    %swap3A_254 = vector.shape_cast %mul3A_238 : vector<1600x128xf32> to vector<1x1600x128xf32>
    tpu.vector_store %arg9[%swap3A_249, %swap3A_250, %swap3A_251], %swap3A_254 {strides = array<i32>} : memref<9x1600x128xf32, #tpu.memory_space<vmem>>, vector<1x1600x128xf32>,
    %swap3A_255 = arith.constant 2 : index
    %swap3A_256 = arith.constant 0 : index
    %swap3A_257 = arith.constant 0 : index
    %swap3A_258 = vector.load %arg9[%swap3A_255, %swap3A_256, %swap3A_257] : memref<9x1600x128xf32, #tpu.memory_space<vmem>>, vector<1x1600x128xf32>
    %swap3A_259 = vector.shape_cast %swap3A_258 : vector<1x1600x128xf32> to vector<1600x128xf32>
    %swap3A_260 = vector.shape_cast %mul3A_239 : vector<1600x128xf32> to vector<1x1600x128xf32>
    tpu.vector_store %arg9[%swap3A_255, %swap3A_256, %swap3A_257], %swap3A_260 {strides = array<i32>} : memref<9x1600x128xf32, #tpu.memory_space<vmem>>, vector<1x1600x128xf32>,
    %swap3A_261 = arith.constant 3 : index
    %swap3A_262 = arith.constant 0 : index
    %swap3A_263 = arith.constant 0 : index
    %swap3A_264 = vector.load %arg9[%swap3A_261, %swap3A_262, %swap3A_263] : memref<9x1600x128xf32, #tpu.memory_space<vmem>>, vector<1x1600x128xf32>
    %swap3A_265 = vector.shape_cast %swap3A_264 : vector<1x1600x128xf32> to vector<1600x128xf32>
    %swap3A_266 = vector.shape_cast %mul3A_238 : vector<1600x128xf32> to vector<1x1600x128xf32>
    tpu.vector_store %arg9[%swap3A_261, %swap3A_262, %swap3A_263], %swap3A_266 {strides = array<i32>} : memref<9x1600x128xf32, #tpu.memory_space<vmem>>, vector<1x1600x128xf32>,
    %mul3A_267 = arith.mulf %broadcast_in_dim3A_94, %mul3A_235 : vector<1600x128xf32>
    %sub3A_268 = arith.subf %mul3A_267, %mul3A_237 : vector<1600x128xf32>
    %swap3A_269 = arith.constant 4 : index
    %swap3A_270 = arith.constant 0 : index
    %swap3A_271 = arith.constant 0 : index
    %swap3A_272 = vector.load %arg9[%swap3A_269, %swap3A_270, %swap3A_271] : memref<9x1600x128xf32, #tpu.memory_space<vmem>>, vector<1x1600x128xf32>
    %swap3A_273 = vector.shape_cast %swap3A_272 : vector<1x1600x128xf32> to vector<1600x128xf32>
    %swap3A_274 = vector.shape_cast %sub3A_268 : vector<1600x128xf32> to vector<1x1600x128xf32>
    tpu.vector_store %arg9[%swap3A_269, %swap3A_270, %swap3A_271], %swap3A_274 {strides = array<i32>} : memref<9x1600x128xf32, #tpu.memory_space<vmem>>, vector<1x1600x128xf32>,
    %swap3A_275 = arith.constant 5 : index
    %swap3A_276 = arith.constant 0 : index
    %swap3A_277 = arith.constant 0 : index
    %swap3A_278 = vector.load %arg9[%swap3A_275, %swap3A_276, %swap3A_277] : memref<9x1600x128xf32, #tpu.memory_space<vmem>>, vector<1x1600x128xf32>
    %swap3A_279 = vector.shape_cast %swap3A_278 : vector<1x1600x128xf32> to vector<1600x128xf32>
    %swap3A_280 = vector.shape_cast %mul3A_240 : vector<1600x128xf32> to vector<1x1600x128xf32>
    tpu.vector_store %arg9[%swap3A_275, %swap3A_276, %swap3A_277], %swap3A_280 {strides = array<i32>} : memref<9x1600x128xf32, #tpu.memory_space<vmem>>, vector<1x1600x128xf32>,
    %swap3A_281 = arith.constant 6 : index
    %swap3A_282 = arith.constant 0 : index
    %swap3A_283 = arith.constant 0 : index
    %swap3A_284 = vector.load %arg9[%swap3A_281, %swap3A_282, %swap3A_283] : memref<9x1600x128xf32, #tpu.memory_space<vmem>>, vector<1x1600x128xf32>
    %swap3A_285 = vector.shape_cast %swap3A_284 : vector<1x1600x128xf32> to vector<1600x128xf32>
    %swap3A_286 = vector.shape_cast %mul3A_239 : vector<1600x128xf32> to vector<1x1600x128xf32>
    tpu.vector_store %arg9[%swap3A_281, %swap3A_282, %swap3A_283], %swap3A_286 {strides = array<i32>} : memref<9x1600x128xf32, #tpu.memory_space<vmem>>, vector<1x1600x128xf32>,
    %swap3A_287 = arith.constant 7 : index
    %swap3A_288 = arith.constant 0 : index
    %swap3A_289 = arith.constant 0 : index
    %swap3A_290 = vector.load %arg9[%swap3A_287, %swap3A_288, %swap3A_289] : memref<9x1600x128xf32, #tpu.memory_space<vmem>>, vector<1x1600x128xf32>
    %swap3A_291 = vector.shape_cast %swap3A_290 : vector<1x1600x128xf32> to vector<1600x128xf32>
    %swap3A_292 = vector.shape_cast %mul3A_240 : vector<1600x128xf32> to vector<1x1600x128xf32>
    tpu.vector_store %arg9[%swap3A_287, %swap3A_288, %swap3A_289], %swap3A_292 {strides = array<i32>} : memref<9x1600x128xf32, #tpu.memory_space<vmem>>, vector<1x1600x128xf32>,
    %mul3A_293 = arith.mulf %broadcast_in_dim3A_96, %mul3A_236 : vector<1600x128xf32>
    %sub3A_294 = arith.subf %mul3A_293, %mul3A_237 : vector<1600x128xf32>
    %swap3A_295 = arith.constant 8 : index
    %swap3A_296 = arith.constant 0 : index
    %swap3A_297 = arith.constant 0 : index
    %swap3A_298 = vector.load %arg9[%swap3A_295, %swap3A_296, %swap3A_297] : memref<9x1600x128xf32, #tpu.memory_space<vmem>>, vector<1x1600x128xf32>
    %swap3A_299 = vector.shape_cast %swap3A_298 : vector<1x1600x128xf32> to vector<1600x128xf32>
    %swap3A_300 = vector.shape_cast %sub3A_294 : vector<1600x128xf32> to vector<1x1600x128xf32>
    tpu.vector_store %arg9[%swap3A_295, %swap3A_296, %swap3A_297], %swap3A_300 {strides = array<i32>} : memref<9x1600x128xf32, #tpu.memory_space<vmem>>, vector<1x1600x128xf32>,
    return
  }
  func.func @transform_0(%arg0: i32) -> (i32, i32) {
    %c0_i32 = arith.constant 0 : i32
    %c0_i32_0 = arith.constant 0 : i32
    return %arg0, %c0_i32 : i32, i32
  }
  func.func @transform_1(%arg0: i32) -> (i32, i32) {
    %c0_i32 = arith.constant 0 : i32
    %c0_i32_0 = arith.constant 0 : i32
    %c0_i32_1 = arith.constant 0 : i32
    return %c0_i32, %c0_i32_0 : i32, i32
  }
  func.func @transform_2(%arg0: i32) -> (i32, i32) {
    %c0_i32 = arith.constant 0 : i32
    %c0_i32_0 = arith.constant 0 : i32
    %c0_i32_1 = arith.constant 0 : i32
    return %c0_i32, %c0_i32_0 : i32, i32
  }
  func.func @transform_3(%arg0: i32) -> (i32, i32) {
    %c0_i32 = arith.constant 0 : i32
    %c0_i32_0 = arith.constant 0 : i32
    %c0_i32_1 = arith.constant 0 : i32
    return %c0_i32, %c0_i32_0 : i32, i32
  }
  func.func @transform_4(%arg0: i32) -> (i32, i32) {
    %c0_i32 = arith.constant 0 : i32
    %c0_i32_0 = arith.constant 0 : i32
    %c0_i32_1 = arith.constant 0 : i32
    return %c0_i32, %c0_i32_0 : i32, i32
  }
  func.func @transform_5(%arg0: i32) -> (i32, i32) {
    %c0_i32 = arith.constant 0 : i32
    %c0_i32_0 = arith.constant 0 : i32
    %c0_i32_1 = arith.constant 0 : i32
    return %c0_i32, %c0_i32_0 : i32, i32
  }
  func.func @transform_6(%arg0: i32) -> (i32, i32, i32) {
    %c0_i32 = arith.constant 0 : i32
    %c0_i32_0 = arith.constant 0 : i32
    %c0_i32_1 = arith.constant 0 : i32
    return %c0_i32, %arg0, %c0_i32_0 : i32, i32, i32
  }
  func.func @transform_7(%arg0: i32) -> (i32, i32, i32) {
    %c0_i32 = arith.constant 0 : i32
    %c0_i32_0 = arith.constant 0 : i32
    %c0_i32_1 = arith.constant 0 : i32
    return %c0_i32, %arg0, %c0_i32_0 : i32, i32, i32
  }
  func.func @transform_8(%arg0: i32) -> (i32, i32, i32) {
    %c0_i32 = arith.constant 0 : i32
    %c0_i32_0 = arith.constant 0 : i32
    %c0_i32_1 = arith.constant 0 : i32
    return %c0_i32, %arg0, %c0_i32_0 : i32, i32, i32
  }
}

</mosaic_0001>

<sc_bundles>
// kernel: kernel.4.cloned.1.call-start
scs
__scs_entry_jumppad:
0x0: {  	(pc) =	sbr.rel $0x88, $3  }
0x1: {  	(tag) =	ssettag $0x0;
	lr =	simm.s32 $0x1  }
0x2: {  	[smem:$0x3F9A] =	sst lr;
	_ =	strace $0xD0000000  }
0x3: {  	_ = 	snop  }
0x4: {  	_ = 	snop  }
0x5: {  	_ = 	snop  }
0x6: {  	_ = 	snop  }
0x7: {  	_ = 	snop  }
__scs_overlays_trampoline_lowered:
0x8: {  	[smem:$0x3FA9] =	sst s0  }
0x9: {  	[smem:$0x3FAA] =	sst s1  }
0xa: {  	[smem:$0x3FAB] =	sst s2  }
0xb: {  	[smem:$0x3FAC] =	sst s3  }
0xc: {  	[smem:$0x3FAD] =	sst s4  }
0xd: {  	[smem:$0x3FAE] =	sst s5  }
0xe: {  	[smem:$0x3FAF] =	sst s6  }
0xf: {  	[smem:$0x3FB0] =	sst s7  }
0x10: {  	[smem:$0x3FB1] =	sst s8  }
0x11: {  	[smem:$0x3FB2] =	sst s9;
	s0 =	simm.s32 @!p0 $0x0  }
0x12: {  	s1 =	sld [smem:$0x3F98];
	s0 =	simm.s32 @p0 $0x1  }
0x13: {  	[smem:$0x3FB3] =	sst s0;
	s0 =	simm.s32 @!p1 $0x0  }
0x14: {  	s2 =	sld [smem:$0x3F97];
	s0 =	simm.s32 @p1 $0x1  }
0x15: {  	[smem:$0x3FB4] =	sst s0;
	s0 =	simm.s32 @!p2 $0x0  }
0x16: {  	s3 =	sld [smem:$0x3FDB];
	s0 =	simm.s32 @p2 $0x1  }
0x17: {  	s4 =	simm.s32 $0x1BF5;
	[smem:$0x3FB6] =	sst s0  }
0x18: {  	s0 =	sld [smem:$0x3F99];
	_ =	swait.ge [sflag:s4], $0x0  }
0x19: {  	s7 =	sld [smem:$0x3F9A]  }
0x1a: {  	s8 =	sadd.s32 $0xFFFFE003, lr  }
0x1b: {  	s9 =	sadd.s32 $0xFFFFFEF7, lr;
	s5 =	simm.s32 $0xFFFFFFFF;
	p2 =	slt.u32 s8, $0xFFFFF086  }
0x1c: {  	p1 =	slt.u32 s9, $0xF7A;
	s5 =	simm.s32 @!p2 $0x0  }
0x1d: {  	s5 =	simm.s32 @p1 $0x1;
	p0 =	seq.s32 s7, s2  }
0x1e: {  	s7 =	smul.u32 @!p0 $0xF7A, s2;
	p2 =	seq.s32 @!p0 s5, $0x0  }
0x1f: {  	s9 =	smul.u32 $0xF7A, s1;
	s8 =	simm.s32 @!p0 $0x1BF5;
	p2 =	por !p2, p0  }
0x20: {  	[sflag:s8] =	ssyncset.s32 @!p0 $0xFFFFF086;
	s6 =	sadd.s32 @!p0 s3, s7;
	s7 =	simm.s32 @!p0 $0x108  }
0x21: {  	s3 =	sadd.s32 s3, s9;
	s6 =	sadd.s32 @!p0 $0x88, s6;
	s7 =	simm.s32 @p2 $0x1082  }
0x22: {  	[simem:s7], [sflag:s8] =	dma.local @!p0 [hbm:s6], $0xF7A  }
0x23: {  	s9 =	sor.u32 $0xD0000000, s2;
	s6 =	simm.s32 $0x108;
	_ =	swait.ge @!p0 [sflag:s8], $0x0  }
0x24: {  	s3 =	sadd.s32 $0x88, s3;
	s6 =	simm.s32 @!p1 $0x1082;
	[sflag:s4] =	ssyncset.s32 $0xFFFFF086  }
0x25: {  	[simem:s6], [sflag:s4] =	dma.local [hbm:s3], $0xF7A  }
0x26: {  	[smem:$0x3F9A] =	sst s1;
	(tag) =	ssettag s2;
	_ =	strace s9  }
0x27: {  	s1 =	sld [smem:$0x3FAA]  }
0x28: {  	s2 =	sld [smem:$0x3FAB]  }
0x29: {  	s4 =	sld [smem:$0x3FAD]  }
0x2a: {  	p0 =	seq.s32 s5, $0x0;
	s5 =	sld [smem:$0x3FAE]  }
0x2b: {  	s6 =	sld [smem:$0x3FAF]  }
0x2c: {  	s7 =	sld [smem:$0x3FB0]  }
0x2d: {  	s3 =	simm.s32 $0x108;
	s8 =	sld [smem:$0x3FB1]  }
0x2e: {  	s3 =	simm.s32 @!p0 $0x1082;
	s9 =	sld [smem:$0x3FB2]  }
0x2f: {  	lr =	sadd.s32 s0, s3;
	s0 =	sld [smem:$0x3FA9]  }
0x30: {  	s3 =	sld [smem:$0x3FAC]  }
0x31: {  	[smem:$0x3FB5] =	sst s10  }
0x32: {  	s10 =	sld [smem:$0x3FB3];
	_ =	sdelay $0x3  }
0x33: {  	p0 =	seq.s32 s10, $0x1;
	s10 =	sld [smem:$0x3FB5];
	_ =	sdelay $0x3  }
0x34: {  	[smem:$0x3FB5] =	sst s10  }
0x35: {  	s10 =	sld [smem:$0x3FB4];
	_ =	sdelay $0x3  }
0x36: {  	p1 =	seq.s32 s10, $0x1;
	s10 =	sld [smem:$0x3FB5];
	_ =	sdelay $0x3  }
0x37: {  	[smem:$0x3FB5] =	sst s10  }
0x38: {  	s10 =	sld [smem:$0x3FB6]  }
0x39: {  	_ = 	snop;
	(pc) =	sbr.ind lr, $3  }
0x3a: {  	_ = 	snop  }
0x3b: {  	_ = 	snop  }
0x3c: {  	p2 =	seq.s32 s10, $0x1;
	s10 =	sld [smem:$0x3FB5]  }
0x3d: {  	_ =	shalt  }
0x3e: {  	_ =	shalt  }
0x3f: {  	_ =	shalt  }
0x40: {  	_ =	shalt  }
0x41: {  	_ =	shalt  }
0x42: {  	_ =	shalt  }
0x43: {  	_ =	shalt  }
0x44: {  	_ =	shalt  }
0x45: {  	_ =	shalt  }
0x46: {  	_ =	shalt  }
0x47: {  	_ =	shalt  }
0x48: {  	_ =	shalt  }
0x49: {  	_ =	shalt  }
0x4a: {  	_ =	shalt  }
0x4b: {  	_ =	shalt  }
0x4c: {  	_ =	shalt  }
0x4d: {  	_ =	shalt  }
0x4e: {  	_ =	shalt  }
0x4f: {  	_ =	shalt  }
0x50: {  	_ =	shalt  }
0x51: {  	_ =	shalt  }
0x52: {  	_ =	shalt  }
0x53: {  	_ =	shalt  }
0x54: {  	_ =	shalt  }
0x55: {  	_ =	shalt  }
0x56: {  	_ =	shalt  }
0x57: {  	_ =	shalt  }
0x58: {  	_ =	shalt  }
0x59: {  	_ =	shalt  }
0x5a: {  	_ =	shalt  }
0x5b: {  	_ =	shalt  }
0x5c: {  	_ =	shalt  }
0x5d: {  	_ =	shalt  }
0x5e: {  	_ =	shalt  }
0x5f: {  	_ =	shalt  }
0x60: {  	_ =	shalt  }
0x61: {  	_ =	shalt  }
0x62: {  	_ =	shalt  }
0x63: {  	_ =	shalt  }
0x64: {  	_ =	shalt  }
0x65: {  	_ =	shalt  }
0x66: {  	_ =	shalt  }
0x67: {  	_ =	shalt  }
0x68: {  	_ =	shalt  }
0x69: {  	_ =	shalt  }
0x6a: {  	_ =	shalt  }
0x6b: {  	_ =	shalt  }
0x6c: {  	_ =	shalt  }
0x6d: {  	_ =	shalt  }
0x6e: {  	_ =	shalt  }
0x6f: {  	_ =	shalt  }
0x70: {  	_ =	shalt  }
0x71: {  	_ =	shalt  }
0x72: {  	_ =	shalt  }
0x73: {  	_ =	shalt  }
0x74: {  	_ =	shalt  }
0x75: {  	_ =	shalt  }
0x76: {  	_ =	shalt  }
0x77: {  	_ =	shalt  }
0x78: {  	_ =	shalt  }
0x79: {  	_ =	shalt  }
0x7a: {  	_ =	shalt  }
0x7b: {  	_ =	shalt  }
0x7c: {  	_ =	shalt  }
0x7d: {  	_ =	shalt  }
0x7e: {  	_ =	shalt  }
0x7f: {  	_ =	shalt  }
0x80: {  	_ =	shalt  }
0x81: {  	_ =	shalt  }
0x82: {  	_ =	shalt  }
0x83: {  	_ =	shalt  }
0x84: {  	_ =	shalt  }
0x85: {  	_ =	shalt  }
0x86: {  	_ =	shalt  }
0x87: {  	_ =	shalt  }
.Lfunc_end0:
.L_simem_size_0:
called_computation_lowered:
.L_overlay_start_0:
0x88: {  	s2 =	sld [smem:$0x3FD9]  }
0x89: {  	s3 =	sld [smem:$0x3FFE];
	_ =	sdelay $0x1  }
0x8a: {  	s1 =	srdreg.scid  }
0x8b: {  	s0 =	sand.u32 $0x1, s1  }
0x8c: {  	s14 =	sshll.u32 s0, $0xA;
	s2 =	sadd.s32 s3, s2  }
0x8d: {  	s2 =	sadd.s32 s2, s14  }
0x8e: {  	[smem:$0x3FC1] =	sst s2  }
0x8f: {  	_ = 	snop  }
0x90: {  	s2 =	sld [smem:$0x3FD0];
	_ =	sdelay $0x2  }
0x91: {  	s4 =	simm.s32 $0xA;
	s5 =	simm.s32 $0x10;
	s15 =	sld [smem:$0x3FC9]  }
0x92: {  	[smem:s5], [sflag:s4] =	dma.local [hbm:s2], $0x1  }
0x93: {  	_ =	swait.eq [sflag:s4], $0x1  }
0x94: {  	s16 =	sld [smem:$0x10];
	[sflag:s4] =	ssyncset.done $0x0  }
0x95: {  	s17 =	sld [smem:$0x11];
	[sflag:s4] =	ssyncadd.s32 $0xFFFFFFFF  }
0x96: {  	s18 =	sld [smem:$0x12];
	(tm) =	ssettm $0x1  }
0x97: {  	s6 =	sld [smem:$0x3FFB];
	_ =	sdelay $0x3  }
0x98: {  	_ =	strace s6  }
0x99: {  	s6 =	sld [smem:$0x3FFC];
	_ =	sdelay $0x3  }
0x9a: {  	_ =	strace s6  }
0x9b: {  	s6 =	sld [smem:$0x3FFD];
	_ =	sdelay $0x3  }
0x9c: {  	_ =	strace s6  }
0x9d: {  	_ =	strace $0x8FFFFFFF  }
0x9e: {  	s19 =	sld [smem:$0x3FDB];
	_ =	sdelay $0x1  }
0x9f: {  	s7 =	simm.s32 $_scs_section_size  }
0xa0: {  	s8 =	simm.s32 $_size__tile_overlayer_lowered;
	s9 =	simm.s32 $_tile_overlayer_lowered  }
0xa1: {  	s22 =	simm.s32 $0x1BFF;
	s21 =	sshll.u32 s9, $0x1;
	s6 =	sadd.s32 s7, s19  }
0xa2: {  	s10 =	simm.s32 $0x0;
	s20 =	sshll.u32 s8, $0x1;
	s8 =	sadd.s32 s21, s6  }
0xa3: {  	[timem:s10], [sflag:s22] =	dma.local [hbm:s8], s20  }
0xa4: {  	_ =	swait.ge [sflag:s22], s20  }
0xa5: {  	s7 =	ssub.s32 $0x0, s20;
	[sflag:s22] =	ssyncset.done $0x0  }
0xa6: {  	[sflag:s22] =	ssyncadd.s32 s7;
	_ =	sdelay $0x1  }
0xa7: {  	s23 =	simm.s32 $0x1B8B  }
0xa8: {  	_ =	swait.ge [sflag:s23], $0x1  }
0xa9: {  	[sflag:s23] =	ssyncset.done $0x0  }
0xaa: {  	s25 =	simm.s32 $0x1B8E;
	s24 =	sld [smem:$0x3FFE];
	[sflag:s23] =	ssyncadd.s32 $0xFFFFFFFF  }
0xab: {  	s26 =	simm.s32 $execute0_lowered;
	[smem:$0x3FD2] =	sst s25  }
0xac: {  	s8 =	sshll.u32 s26, $0x1;
	_ =	strace $0x80000046;
	[dreg:$0x1] =	wrdreg $0xFFFFFFFF  }
0xad: {  	s28 =	simm.s32 $_size_execute0_lowered;
	s6 =	sadd.s32 s6, s8;
	[dreg:$0x0] =	wrdreg $0x0  }
0xae: {  	s8 =	sshll.u32 s28, $0x1;
	[dreg:$0x2] =	wrdreg s6  }
0xaf: {  	[dreg:$0x3] =	wrdreg s8  }
0xb0: {  	[dreg:$0x4] =	wrdreg $0xC0  }
0xb1: {  	_ =	task [dreg:s10], $0x5FFFF  }
0xb2: {  	[dreg:$0x1] =	wrdreg $0xFFFFFFFF  }
0xb3: {  	[dreg:$0x0] =	wrdreg $0x60  }
0xb4: {  	[dreg:$0x2] =	wrdreg s17  }
0xb5: {  	[dreg:$0x3] =	wrdreg s16  }
0xb6: {  	[dreg:$0x4] =	wrdreg s24  }
0xb7: {  	[dreg:$0x5] =	wrdreg s15  }
0xb8: {  	[dreg:$0x6] =	wrdreg s18  }
0xb9: {  	[dreg:$0x7] =	wrdreg $0x9  }
0xba: {  	_ =	task.clear_ibuf [dreg:s10], $0x8FFFF;
	_ =	strace $0x90000046  }
0xbb: {  	s29 =	simm.s32 $0x9;
	_ =	strace $0x80000048  }
0xbc: {  	_ =	swait.ge [sflag:s29], $0x1  }
0xbd: {  	[sflag:s29] =	ssyncadd.s32 $0xFFFFFFFF  }
0xbe: {  	_ =	strace $0x90000048  }
0xbf: {  	_ =	sfence  }
0xc0: {  	s30 =	sld [smem:$0x0];
	_ =	sdelay $0x2  }
0xc1: {  	s31 =	sshll.u32 s1, $0xD;
	s1 =	sshrl.u32 s1, $0x2  }
0xc2: {  	s3 =	sand.u32 $0x4000, s31;
	s1 =	sadd.s32 s1, s30  }
0xc3: {  	s0 =	sor.u32 s3, s0;
	s1 =	sshll.u32 s1, $0x11  }
0xc4: {  	s0 =	sor.u32 s1, s0  }
0xc5: {  	s0 =	sadd.s32 $0x8F2B, s0  }
0xc6: {  	[sflag:s0] =	ssyncadd.remote.s32 $0x1  }
0xc7: {  	_ =	sfence.sel $0xFFFF  }
0xc8: {  	[dreg:$0x0] =	wrdreg $0xFFFFFFFF;
	(pc) =	sbr.abs _section_cstart, $3  }
0xc9: {  	[dreg:$0x1] =	wrdreg $0xFFFFFFFF  }
0xca: {  	_ =	task.clear_ibuf [dreg:s10], $0x2FFFF;
	_ =	strace $0x9FFFFFFF  }
0xcb: {  	(tm) =	ssettm $0x7FFFFFFF  }
tec
execute0_lowered:
.L_overlay_start_1:
0x0: {  	(tag) =	ssettag $0x1  }
0x1: {  	s5 =	rddreg [dreg:$0x0]  }
0x2: {  	s6 =	rddreg [dreg:$0x1]  }
0x3: {  	s1 =	rddreg [dreg:$0x2]  }
0x4: {  	s3 =	rddreg [dreg:$0x3];
	s2 =	srdreg.scid  }
0x5: {  	s0 =	stileid.u32;
	s7 =	rddreg [dreg:$0x4]  }
0x6: {  	s12 =	simm.s32 $0xC500;
	s8 =	sand.u32 $0x1, s2;
	s4 =	sshll.u32 s0, $0x1  }
0x7: {  	s13 =	simm.s32 $0x0;
	s2 =	rddreg [dreg:$0x5];
	s9 =	sor.u32 s8, s4  }
0x8: {  	s4 =	simm.s32 $0x0;
	s8 =	ssub.s32 $0x2, s8;
	s10 =	smul.u32 $0x272, s9  }
0x9: {  	[smem:$0x7FF] =	sst s4;
	s11 =	sshrl.u32 s8, $0x1;
	s9 =	smul.u32 $0x1390, s9  }
0xa: {  	_ =	strace $0x80000047;
	s8 =	ssub.s32 s8, s11;
	s11 =	simm.s32 $0x9D80  }
0xb: {  	v0 =	vlaneseq.u32;
	s5 =	sadd.s32 s5, s10;
	s6 =	sadd.s32 s6, s10;
	s7 =	sadd.s32 s7, s9  }
0xc: {  	v0 =	vmul.u32 $0x8, v0;
	s8 =	smax.u32 s8, $0x1;
	s9 =	simm.s32 $0x1;
	s10 =	simm.s32 $0x2800  }
.LBB2_1:
0xd: {  	[tilespmem:s4], [sflag:$0x1] =	stream.linear.gather [hbm4b:s5+s4], $0x1390, $0x38;
	[tilespmem:$0x16180] =	vst v63  }
0xe: {  	_ =	swait.ge [sflag:s9], $0x1390  }
0xf: {  	[sflag:s9] =	ssyncset.done $0x0  }
0x10: {  	s14 =	simm.s32 $0x1400;
	[sflag:s9] =	ssyncadd.s32 $0xFFFFEC70  }
0x11: {  	[tilespmem:s14], [sflag:$0x1] =	stream.linear.gather [hbm4b:s6+s4], $0x1390, $0x38;
	[tilespmem:$0x16180] =	vst v63  }
0x12: {  	_ =	swait.ge [sflag:s9], $0x1390  }
0x13: {  	[sflag:s9] =	ssyncset.done $0x0  }
0x14: {  	[sflag:s9] =	ssyncadd.s32 $0xFFFFEC70  }
0x15: {  	[tilespmem:s10], [sflag:$0x1] =	stream.linear.gather [hbm4b:s1+s4], $0x7580, $0x38;
	[tilespmem:$0x16180] =	vst v63  }
0x16: {  	_ =	swait.ge [sflag:s9], $0x7580  }
0x17: {  	[sflag:s9] =	ssyncset.done $0x0  }
0x18: {  	[sflag:s9] =	ssyncadd.s32 $0xFFFF8A80  }
0x19: {  	[tilespmem:s11], [sflag:$0x1] =	stream.linear.gather [hbm4b:s3+s4], $0x2780, $0x38;
	[tilespmem:$0x16180] =	vst v63  }
0x1a: {  	_ =	swait.ge [sflag:s9], $0x2780  }
0x1b: {  	[sflag:s9] =	ssyncset.done $0x0  }
0x1c: {  	[sflag:s9] =	ssyncadd.s32 $0xFFFFD880  }
0x1d: {  	v1 =	vld [tilespmem:s4+$0x0]  }
0x1e: {  	v2 =	vld [tilespmem:s14+$0x0];
	_ =	sdelay $0x3  }
0x1f: {  	v3 =	vmul.u32 $0x3, v1  }
0x20: {  	v6 =	vmul.u32 $0x3, v2;
	_ =	sdelay $0x1  }
0x21: {  	v4 =	vadd.s32 $0x1, v3  }
0x22: {  	v5 =	vadd.s32 $0x2, v3  }
0x23: {  	v7 =	vadd.s32 $0x1, v6;
	v1 =	vld.idx.msk [tilespmem:v1+s11+$0x0], $0xffff  }
0x24: {  	v8 =	vadd.s32 $0x2, v6;
	v3 =	vld.idx.msk [tilespmem:v3+s10+$0x0], $0xffff  }
0x25: {  	v6 =	vld.idx.msk [tilespmem:v6+s10+$0x0], $0xffff  }
0x26: {  	v4 =	vld.idx.msk [tilespmem:v4+s10+$0x0], $0xffff  }
0x27: {  	v9 =	vmov s4;
	v5 =	vld.idx.msk [tilespmem:v5+s10+$0x0], $0xffff  }
0x28: {  	v9 =	vshll.u32 v9, $0x3;
	v7 =	vld.idx.msk [tilespmem:v7+s10+$0x0], $0xffff  }
0x29: {  	v9 =	vor.u32 v0, v9;
	v8 =	vld.idx.msk [tilespmem:v8+s10+$0x0], $0xffff  }
0x2a: {  	v10 =	vor.u32 $0x1, v9  }
0x2b: {  	v11 =	vor.u32 $0x2, v9;
	v2 =	vld.idx.msk [tilespmem:v2+s11+$0x0], $0xffff  }
0x2c: {  	v62 =	vor.u32 $0x4, v9;
	v3 =	vsub.f32 v6, v3  }
0x2d: {  	v63 =	vcvt.s32.f32 v1;
	v1 =	vor.u32 $0x5, v9;
	v4 =	vsub.f32 v7, v4  }
0x2e: {  	[tilespmem:v9+s12+$0x0] =	vst.idx.msk $0xffff, v3;
	v3 =	vsub.f32 v8, v5  }
0x2f: {  	[tilespmem:v10+s12+$0x0] =	vst.idx.msk $0xffff, v4  }
0x30: {  	v2 =	vcvt.s32.f32 v2;
	[tilespmem:v11+s12+$0x0] =	vst.idx.msk $0xffff, v3  }
0x31: {  	s15 =	simm.s32 $0x10;
	s16 =	simm.s32 $0x0;
	[tilespmem:v62+s12+$0x0] =	vst.idx.msk $0xffff, v63  }
.LBB2_2:
0x32: {  	p0 =	sne.s32 s15, $0x1380;
	[tilespmem:v1+s12+$0x0] =	vst.idx.msk $0xffff, v2;
	s16 =	sadd.s32 $0x10, s16;
	s14 =	sadd.s32 $0x10, s14  }
0x33: {  	s17 =	smov.u32 s15;
	s15 =	sadd.s32 $0x10, s15;
	v1 =	vld [tilespmem:s16+$0x0];
	_ =	sdelay $0x2  }
0x34: {  	v2 =	vld [tilespmem:s14+$0x0];
	_ =	sdelay $0x1  }
0x35: {  	v3 =	vmul.u32 $0x3, v1;
	_ =	sdelay $0x1  }
0x36: {  	v4 =	vadd.s32 $0x1, v3;
	v5 =	vadd.s32 $0x2, v3  }
0x37: {  	v6 =	vmul.u32 $0x3, v2;
	_ =	sdelay $0x1  }
0x38: {  	v7 =	vadd.s32 $0x1, v6;
	v8 =	vadd.s32 $0x2, v6  }
0x39: {  	v3 =	vld.idx.msk [tilespmem:v3+s10+$0x0], $0xffff  }
0x3a: {  	v4 =	vld.idx.msk [tilespmem:v4+s10+$0x0], $0xffff  }
0x3b: {  	v5 =	vld.idx.msk [tilespmem:v5+s10+$0x0], $0xffff  }
0x3c: {  	v6 =	vld.idx.msk [tilespmem:v6+s10+$0x0], $0xffff  }
0x3d: {  	v9 =	vmov s17;
	v7 =	vld.idx.msk [tilespmem:v7+s10+$0x0], $0xffff  }
0x3e: {  	v9 =	vshll.u32 v9, $0x3;
	v8 =	vld.idx.msk [tilespmem:v8+s10+$0x0], $0xffff  }
0x3f: {  	v9 =	vor.u32 v0, v9;
	v10 =	vld.idx.msk [tilespmem:v1+s11+$0x0], $0xffff  }
0x40: {  	v11 =	vor.u32 $0x1, v9;
	v2 =	vld.idx.msk [tilespmem:v2+s11+$0x0], $0xffff  }
0x41: {  	v12 =	vor.u32 $0x2, v9  }
0x42: {  	v3 =	vsub.f32 v6, v3;
	v6 =	vor.u32 $0x4, v9  }
.Ltmp0:
0x43: {  	v1 =	vor.u32 $0x5, v9;
	v4 =	vsub.f32 v7, v4;
	(pc) =	sbr.rel @p0 .LBB2_2-.Ltmp0, $4  }
0x44: {  	[tilespmem:v9+s12+$0x0] =	vst.idx.msk $0xffff, v3;
	v3 =	vsub.f32 v8, v5  }
0x45: {  	v5 =	vcvt.s32.f32 v10;
	[tilespmem:v11+s12+$0x0] =	vst.idx.msk $0xffff, v4  }
0x46: {  	v2 =	vcvt.s32.f32 v2;
	[tilespmem:v12+s12+$0x0] =	vst.idx.msk $0xffff, v3  }
0x47: {  	[tilespmem:v6+s12+$0x0] =	vst.idx.msk $0xffff, v5  }
0x48: {  	_ =	sdelay $0x1  }
0x49: {  	s13 =	sadd.s32 $0x1, s13  }
0x4a: {  	p0 =	sne.s32 s13, s8  }
.Ltmp1:
0x4b: {  	[tilespmem:v1+s12+$0x0] =	vst.idx.msk $0xffff, v2;
	(pc) =	sbr.rel @p0 .LBB2_1-.Ltmp1, $4  }
0x4c: {  	[hbm4b:s7+s4] =	stream.linear.scatter [tilespmem:s12], [sflag:$0x1], $0x9C80, $0x38;
	[tilespmem:$0x16180] =	vst v63  }
0x4d: {  	_ =	swait.ge [sflag:s9], $0x9C80  }
0x4e: {  	[sflag:s9] =	ssyncset.done $0x0  }
0x4f: {  	[sflag:s9] =	ssyncadd.s32 $0xFFFF6380  }
0x50: {  	_ =	sfence.sel $0x180000  }
0x51: {  	[bflag:$0x0] =	sbarrier.arrive $0xFFFF  }
0x52: {  	p0 =	sne.s32 s0, $0x0;
	_ =	strace $0x90000047  }
0x53: {  	s0 =	sadd.s32 @!p0 $0x100000, s2;
	[bflag:$0x2] =	sbarrier.arrive $0xFFFF  }
0x54: {  	[sflag:s0] =	ssyncadd.tile.s32 @!p0 $0x1;
	_ =	shalt  }
.Lfunc_end2:
_tile_overlayer_lowered:
.L_overlay_start_2:
0x55: {  	(tag) =	ssettag $0x2  }
0x56: {  	s0 =	rddreg [dreg:$0x0];
	s2 =	stileid.u32  }
0x57: {  	s1 =	rddreg [dreg:$0x1];
	p0 =	sne.s32 s2, $0x0  }
0x58: {  	s3 =	rddreg [dreg:$0x2];
	[bflag:$0x3] =	sbarrier.arrive $0xFFFF;
	s2 =	simm.s32 @!p0 $0x1C01  }
0x59: {  	[timem:s3], [sflag:s2] =	dma.local @!p0 [hbm:s0], s1  }
0x5a: {  	s0 =	simm.s32 @!p0 $0x1  }
0x5b: {  	_ =	swait.ge @!p0 [sflag:s0], s1  }
0x5c: {  	s1 =	ssub.s32 @!p0 $0x0, s1;
	[sflag:s0] =	ssyncset.done @!p0 $0x0  }
0x5d: {  	[sflag:s0] =	ssyncadd.s32 @!p0 s1  }
0x5e: {  	[bflag:$0x3] =	sbarrier.arrive $0xFFFF  }
0x5f: {  	_ =	shalt  }

</sc_bundles>
